<compile_context>
chip_gen: v7x
topology: tpu7x:2x2x1
jax: 0.10.2.dev20260603
libtpu: 0.0.44.dev20260713+nightly
codegen_flags: <defaults>
</compile_context>

<pallas_src>
import functools

import jax
import jax.numpy as jnp
from jax import lax
from jax.experimental import pallas as pl
from jax.experimental.pallas import tpu as pltpu
from jax.experimental.pallas import tpu_sc as plsc

N = 100000
D = 128
H = 256
B = 1024
M = 4096

NC = 2
NS = 16
NW = NC * NS

BKN = 112
NFULL = 13
NBPW = 14
CHUNK = NBPW * BKN
HALF = NW * CHUNK
NPAD = 2 * HALF
TRASH = B + M
ACC_ROWS = 5248
RPS = ACC_ROWS // NS



PBN = 1792
PBH = HALF // PBN
PBLK = NPAD // PBN


def _gate_body(kofs, f_ref, sm_ref, smf_ref, mid_ref, waw_ref, baw_ref,
               wf_ref, ws_ref):
    f = f_ref[...]
    t = jnp.dot(f, waw_ref[...], preferred_element_type=jnp.float32)[:, 0:1]
    w = jax.nn.sigmoid(t + baw_ref[0, 0])
    sm = sm_ref[0, 0, :]
    smf = smf_ref[0, 0, :]
    mid = mid_ref[0, 0, :]
    row = ((pl.program_id(0) + kofs) * PBN
           + lax.broadcasted_iota(jnp.int32, (PBN, D), 0))
    valid = row < N
    wf_ref[...] = jnp.where(valid, f * (w * sm[:, None]), 0.0)
    ws_ref[...] = jnp.where(
        valid,
        f * (w * (smf * (mid > 0).astype(jnp.float32))[:, None]), 0.0)


def _gate_half(k, node_feats, sm, smf, mid, waw8, baw):
    return pl.pallas_call(
        functools.partial(_gate_body, k * PBH),
        grid=(PBH,),
        in_specs=[
            pl.BlockSpec((PBN, D), lambda i: (i + k * PBH, 0)),
            pl.BlockSpec((1, 1, PBN), lambda i: (i + k * PBH, 0, 0)),
            pl.BlockSpec((1, 1, PBN), lambda i: (i + k * PBH, 0, 0)),
            pl.BlockSpec((1, 1, PBN), lambda i: (i + k * PBH, 0, 0)),
            pl.BlockSpec((D, 8), lambda i: (0, 0)),
            pl.BlockSpec((1, 1), lambda i: (0, 0)),
        ],
        out_specs=[
            pl.BlockSpec((PBN, D), lambda i: (i, 0)),
            pl.BlockSpec((PBN, D), lambda i: (i, 0)),
        ],
        out_shape=[
            jax.ShapeDtypeStruct((HALF, D), jnp.float32),
            jax.ShapeDtypeStruct((HALF, D), jnp.float32),
        ],
    )(node_feats, sm, smf, mid, waw8, baw)



def _sc_body(k, wf_h, ws_h, bidx_h, midx_h, zrows, parts,
             acc, fwf0, fwf1, fws0, fws1, bib0, bib1, mib0, mib1,
             sin0, sin1, ssc0, ssc1):
    core = lax.axis_index("c")
    sid = lax.axis_index("s")
    wid = core * NS + sid

    fwf = (fwf0, fwf1)
    fws = (fws0, fws1)
    bib = (bib0, bib1)
    mib = (mib0, mib1)
    sin = (sin0, sin1)
    ssc = (ssc0, ssc1)

    pltpu.sync_copy(zrows.at[pl.ds(sid * RPS, RPS), :],
                    acc.at[pl.ds(sid * RPS, RPS), :])
    plsc.subcore_barrier()

    base = wid * CHUNK

    def off_of(bi):
        return pl.multiple_of(base + jnp.minimum(bi, NFULL) * BKN, 8)

    def issue_in(p, bi):
        off = off_of(bi)
        goff = pl.multiple_of(k * HALF + off, 8)
        pltpu.async_copy(wf_h.at[pl.ds(off, BKN), :], fwf[p], sin[p])
        pltpu.async_copy(ws_h.at[pl.ds(off, BKN), :], fws[p], sin[p])
        pltpu.async_copy(bidx_h.at[pl.ds(goff, BKN)], bib[p], sin[p])
        pltpu.async_copy(midx_h.at[pl.ds(goff, BKN)], mib[p], sin[p])

    def wait_in(p, bi):
        off = off_of(bi)
        goff = pl.multiple_of(k * HALF + off, 8)
        pltpu.make_async_copy(wf_h.at[pl.ds(off, BKN), :], fwf[p], sin[p]).wait()
        pltpu.make_async_copy(ws_h.at[pl.ds(off, BKN), :], fws[p], sin[p]).wait()
        pltpu.make_async_copy(bidx_h.at[pl.ds(goff, BKN)], bib[p], sin[p]).wait()
        pltpu.make_async_copy(midx_h.at[pl.ds(goff, BKN)], mib[p], sin[p]).wait()

    def issue_sc(p):
        pltpu.async_copy(fwf[p], acc.at[bib[p]], ssc[p], add=True)
        pltpu.async_copy(fws[p], acc.at[mib[p]], ssc[p], add=True)

    def wait_sc(p):
        pltpu.make_async_copy(fwf[p], acc.at[bib[p]], ssc[p]).wait()
        pltpu.make_async_copy(fws[p], acc.at[mib[p]], ssc[p]).wait()

    issue_in(0, jnp.int32(0))

    def body(i, carry):
        for p in (0, 1):
            bi = 2 * i + p
            wait_in(p, bi)

            @pl.when(bi >= 1)
            def _():
                wait_sc(1 - p)

            issue_in(1 - p, bi + 1)
            issue_sc(p)
        return carry

    lax.fori_loop(0, (NFULL + 1) // 2, body, jnp.int32(0))
    wait_in(0, jnp.int32(NFULL + 1))
    wait_sc(1)

    plsc.subcore_barrier()
    pltpu.sync_copy(acc.at[pl.ds(sid * RPS, RPS), :],
                    parts.at[core, pl.ds(sid * RPS, RPS), :])


def _sc_pool(k, wf, ws, bidx, midx, zrows):
    return pl.kernel(
        functools.partial(_sc_body, k),
        out_type=jax.ShapeDtypeStruct((NC, ACC_ROWS, D), jnp.float32),
        mesh=plsc.VectorSubcoreMesh(core_axis_name="c", subcore_axis_name="s"),
        scratch_types=[
            pltpu.VMEM_SHARED((ACC_ROWS, D), jnp.float32),
            pltpu.VMEM((BKN, D), jnp.float32),
            pltpu.VMEM((BKN, D), jnp.float32),
            pltpu.VMEM((BKN, D), jnp.float32),
            pltpu.VMEM((BKN, D), jnp.float32),
            pltpu.VMEM((BKN,), jnp.int32),
            pltpu.VMEM((BKN,), jnp.int32),
            pltpu.VMEM((BKN,), jnp.int32),
            pltpu.VMEM((BKN,), jnp.int32),
            pltpu.SemaphoreType.DMA,
            pltpu.SemaphoreType.DMA,
            pltpu.SemaphoreType.DMA,
            pltpu.SemaphoreType.DMA,
        ],
    )(wf, ws, bidx, midx, zrows)



def _mlp_body(p_ref, q_ref, wf_ref, bf_ref, w1_ref, b1_ref, w2_ref, b2_ref,
              x_ref, o_ref):
    x = (p_ref[0] + p_ref[1]) + (q_ref[0] + q_ref[1])
    x_ref[...] = x
    h0 = jnp.dot(x, wf_ref[...], preferred_element_type=jnp.float32) + bf_ref[...]
    h1 = jnp.maximum(
        jnp.dot(h0, w1_ref[...], preferred_element_type=jnp.float32) + b1_ref[...],
        0.0)
    o_ref[...] = jnp.dot(h1, w2_ref[...], preferred_element_type=jnp.float32) + b2_ref[...]


def kernel(node_feats, smask, smask_full, batch_ids, motif_ids,
           W_aw, b_aw, W_feat, b_feat, W1, b1, W2, b2):
    pad = NPAD - N
    sm = jnp.pad(smask, (0, pad)).reshape(PBLK, 1, PBN)
    smf = jnp.pad(smask_full, (0, pad)).reshape(PBLK, 1, PBN)
    mid = jnp.pad(motif_ids, (0, pad)).reshape(PBLK, 1, PBN)
    waw8 = jnp.pad(W_aw, ((0, 0), (0, 7)))
    baw = b_aw.reshape(1, 1)
    bidx = jnp.pad(batch_ids, (0, pad), constant_values=TRASH)
    midx = jnp.pad(motif_ids + (B - 1), (0, pad), constant_values=TRASH)
    zrows = jnp.zeros((ACC_ROWS, D), jnp.float32)

    wf1, ws1 = _gate_half(0, node_feats, sm, smf, mid, waw8, baw)
    parts1 = _sc_pool(0, wf1, ws1, bidx, midx, zrows)
    wf2, ws2 = _gate_half(1, node_feats, sm, smf, mid, waw8, baw)
    parts2 = _sc_pool(1, wf2, ws2, bidx, midx, zrows)

    xsum, out = pl.pallas_call(
        _mlp_body,
        grid=((B + M) // 512,),
        in_specs=[
            pl.BlockSpec((NC, 512, D), lambda i: (0, i, 0)),
            pl.BlockSpec((NC, 512, D), lambda i: (0, i, 0)),
            pl.BlockSpec((D, H), lambda i: (0, 0)),
            pl.BlockSpec((1, H), lambda i: (0, 0)),
            pl.BlockSpec((H, H), lambda i: (0, 0)),
            pl.BlockSpec((1, H), lambda i: (0, 0)),
            pl.BlockSpec((H, H // 2), lambda i: (0, 0)),
            pl.BlockSpec((1, H // 2), lambda i: (0, 0)),
        ],
        out_specs=[
            pl.BlockSpec((512, D), lambda i: (i, 0)),
            pl.BlockSpec((512, H // 2), lambda i: (i, 0)),
        ],
        out_shape=[
            jax.ShapeDtypeStruct((B + M, D), jnp.float32),
            jax.ShapeDtypeStruct((B + M, H // 2), jnp.float32),
        ],
    )(parts1, parts2, W_feat, b_feat.reshape(1, H), W1, b1.reshape(1, H),
      W2, b2.reshape(1, H // 2))

    return (xsum[:B], out[:B], out[B:])

# --- scband reference (transcript-rebuilt; emitter-appended) ---
"""Pipeline reference for scband-base-gnn-60215441490197 (READ-ONLY COPY).

The authoritative reference and input builder live on the scoring server;
editing this copy changes nothing except your own understanding.
"""

import jax, jax.numpy as jnp
import numpy as np

N = 100000
D = 128
H = 256
B = 1024
M = 4096  # motif ids in [0, M]; 0 = non-motif background


def setup_inputs(seed: int = 0) -> dict:
    key = jax.random.key(seed)
    ks = jax.random.split(key, 10)
    node_feats = jax.random.normal(ks[0], (N, D), dtype=jnp.float32)
    smask = jax.random.uniform(ks[1], (N,), dtype=jnp.float32)
    smask_full = jax.random.uniform(ks[2], (N,), dtype=jnp.float32)
    batch_ids = jnp.sort(jax.random.randint(ks[3], (N,), 0, B).astype(jnp.int32))
    motif_ids = jnp.sort(jax.random.randint(ks[4], (N,), 0, M + 1).astype(jnp.int32))
    s = 1.0 / np.sqrt(D)
    W_aw = jax.random.uniform(ks[5], (D, 1), minval=-s, maxval=s, dtype=jnp.float32)
    b_aw = jnp.zeros((1,), jnp.float32)
    W_feat = jax.random.uniform(ks[6], (D, H), minval=-s, maxval=s, dtype=jnp.float32)
    b_feat = jnp.zeros((H,), jnp.float32)
    s2 = 1.0 / np.sqrt(H)
    W1 = jax.random.uniform(ks[7], (H, H), minval=-s2, maxval=s2, dtype=jnp.float32)
    b1 = jnp.zeros((H,), jnp.float32)
    W2 = jax.random.uniform(ks[8], (H, H // 2), minval=-s2, maxval=s2, dtype=jnp.float32)
    b2 = jnp.zeros((H // 2,), jnp.float32)
    return {
        'node_feats': node_feats, 'smask': smask, 'smask_full': smask_full,
        'batch_ids': batch_ids, 'motif_ids': motif_ids,
        'W_aw': W_aw, 'b_aw': b_aw, 'W_feat': W_feat, 'b_feat': b_feat,
        'W1': W1, 'b1': b1, 'W2': W2, 'b2': b2,
    }


def reference(node_feats, smask, smask_full, batch_ids, motif_ids,
              W_aw, b_aw, W_feat, b_feat, W1, b1, W2, b2):
    # WeightAndSum readout over whole molecules (no rgcn layers: ModuleList is empty)
    atom_w = jax.nn.sigmoid(node_feats @ W_aw + b_aw)  # [N,1]
    w_global = atom_w * smask[:, None]
    graph_feats = jax.ops.segment_sum(node_feats * w_global, batch_ids, num_segments=B)  # [B,D]
    feats_global = graph_feats @ W_feat + b_feat
    out_global = jnp.maximum(feats_global @ W1 + b1, 0.0) @ W2 + b2  # [B,H//2]
    # SubstructureProcessor: per-motif weighted sum (motif id 0 excluded)
    w_sub = atom_w * smask_full[:, None]
    keep = (motif_ids > 0).astype(node_feats.dtype)[:, None]
    h_subs = jax.ops.segment_sum(node_feats * w_sub * keep, motif_ids, num_segments=M + 1)[1:]  # [M,D]
    feats_sub = h_subs @ W_feat + b_feat
    out_sub = jnp.maximum(feats_sub @ W1 + b1, 0.0) @ W2 + b2  # [M,H//2]
    return (graph_feats, out_global, out_sub)

if __name__ == "__main__":
    import jax
    _d = setup_inputs()
    print(jax.jit(kernel)(*tuple(_d.values())))

</pallas_src>

<mosaic_0001>
#map = affine_map<(d0, d1) -> (0, 0)>
#map1 = affine_map<(d0, d1) -> (0)>
#map2 = affine_map<(d0, d1) -> (0, 0, 0)>
module attributes {stable_mosaic.version = 14 : i64} {
  func.func @_sc_body(%arg0: i32, %arg1: i32, %arg2: memref<50176x128xf32, #tpu.memory_space<hbm>>, %arg3: memref<50176x128xf32, #tpu.memory_space<hbm>>, %arg4: memref<100352xi32, #tpu.memory_space<hbm>>, %arg5: memref<100352xi32, #tpu.memory_space<hbm>>, %arg6: memref<5248x128xf32, #tpu.memory_space<hbm>>, %arg7: memref<2x5248x128xf32, #tpu.memory_space<hbm>>, %arg8: memref<5248x128xf32, #tpu.memory_space<vmem_shared>>, %arg9: memref<112x128xf32, #tpu.memory_space<vmem>>, %arg10: memref<112x128xf32, #tpu.memory_space<vmem>>, %arg11: memref<112x128xf32, #tpu.memory_space<vmem>>, %arg12: memref<112x128xf32, #tpu.memory_space<vmem>>, %arg13: memref<112xi32, #tpu.memory_space<vmem>>, %arg14: memref<112xi32, #tpu.memory_space<vmem>>, %arg15: memref<112xi32, #tpu.memory_space<vmem>>, %arg16: memref<112xi32, #tpu.memory_space<vmem>>, %arg17: memref<!tpu.dma_semaphore, #tpu.memory_space<semaphore_mem>>, %arg18: memref<!tpu.dma_semaphore, #tpu.memory_space<semaphore_mem>>, %arg19: memref<!tpu.dma_semaphore, #tpu.memory_space<semaphore_mem>>, %arg20: memref<!tpu.dma_semaphore, #tpu.memory_space<semaphore_mem>>) attributes {dimension_semantics = [#tpu.dimension_semantics<core_parallel>, #tpu.dimension_semantics<subcore_parallel>], iteration_bounds = array<i64: 2, 16>, scalar_prefetch = 0 : i64, scratch_operands = 13 : i64, tpu.core_type = #tpu.core_type<sc_vector_subcore>, window_params = [{transform_indices = #map}, {transform_indices = #map}, {transform_indices = #map1}, {transform_indices = #map1}, {transform_indices = #map}, {transform_indices = #map2}]} {
    %mul3A = arith.constant 16 : i32
    %mul3A_0 = arith.muli %arg0, %mul3A : i32
    %add3A = arith.addi %mul3A_0, %arg1 : i32
    %mul3A_1 = arith.constant 328 : i32
    %mul3A_2 = arith.muli %arg1, %mul3A_1 : i32
    %mul3A_3 = arith.constant 328 : i32
    %mul3A_4 = arith.muli %arg1, %mul3A_3 : i32
    "tpu.region"() ({
      %run_scoped3A = tpu.sem_alloc : memref<!tpu.dma_semaphore, #tpu.memory_space<semaphore_mem>>
      %dma_start3A_63 = arith.constant 0 : i32
      %dma_start3A_64 = tpu.memref_slice %arg8[%mul3A_4, %dma_start3A_63] : memref<5248x128xf32, #tpu.memory_space<vmem_shared>> -> memref<328x128xf32, #tpu.memory_space<vmem_shared>>
      %dma_start3A_65 = arith.constant 0 : i32
      %dma_start3A_66 = tpu.memref_slice %arg6[%mul3A_2, %dma_start3A_65] : memref<5248x128xf32, #tpu.memory_space<hbm>> -> memref<328x128xf32, #tpu.memory_space<hbm>>
      tpu.enqueue_dma source(%dma_start3A_66 : memref<328x128xf32, #tpu.memory_space<hbm>>) target(%dma_start3A_64 : memref<328x128xf32, #tpu.memory_space<vmem_shared>>) target_semaphore(%run_scoped3A : memref<!tpu.dma_semaphore, #tpu.memory_space<semaphore_mem>>)
      %dma_wait3A_67 = arith.constant 0 : i32
      %dma_wait3A_68 = tpu.memref_slice %arg8[%mul3A_4, %dma_wait3A_67] : memref<5248x128xf32, #tpu.memory_space<vmem_shared>> -> memref<328x128xf32, #tpu.memory_space<vmem_shared>>
      %dma_wait3A_69 = arith.constant 0 : i32
      %dma_wait3A_70 = tpu.memref_slice %arg6[%mul3A_2, %dma_wait3A_69] : memref<5248x128xf32, #tpu.memory_space<hbm>> -> memref<328x128xf32, #tpu.memory_space<hbm>>
      tpu.wait_dma2 semaphore(%run_scoped3A : memref<!tpu.dma_semaphore, #tpu.memory_space<semaphore_mem>>) src(%dma_wait3A_70 : memref<328x128xf32, #tpu.memory_space<hbm>>) dst(%dma_wait3A_68 : memref<328x128xf32, #tpu.memory_space<vmem_shared>>)
      tpu.yield
    }) : () -> ()
    %barrier3A = arith.constant 0 : index
    tpu.barrier barrier_id(%barrier3A)
    %mul3A_5 = arith.constant 1568 : i32
    %mul3A_6 = arith.muli %add3A, %mul3A_5 : i32
    %min3A = arith.constant 0 : i32
    %min3A_7 = arith.constant 13 : i32
    %min3A_8 = arith.minsi %min3A, %min3A_7 : i32
    %mul3A_9 = arith.constant 112 : i32
    %mul3A_10 = arith.muli %min3A_8, %mul3A_9 : i32
    %add3A_11 = arith.addi %mul3A_6, %mul3A_10 : i32
    %multiple_of3A = tpu.assume_multiple %add3A_11, 8 : i32
    %add3A_12 = arith.constant 0 : i32
    %add3A_13 = arith.addi %add3A_12, %multiple_of3A : i32
    %multiple_of3A_14 = tpu.assume_multiple %add3A_13, 8 : i32
    %dma_start3A = arith.constant 0 : i32
    %dma_start3A_15 = tpu.memref_slice %arg2[%multiple_of3A, %dma_start3A] : memref<50176x128xf32, #tpu.memory_space<hbm>> -> memref<112x128xf32, #tpu.memory_space<hbm>>
    %dma_start3A_16 = arith.constant 0 : i32
    %dma_start3A_17 = tpu.memref_slice %arg2[%multiple_of3A, %dma_start3A_16] : memref<50176x128xf32, #tpu.memory_space<hbm>> -> memref<112x128xf32, #tpu.memory_space<hbm>>
    tpu.enqueue_dma source(%dma_start3A_17 : memref<112x128xf32, #tpu.memory_space<hbm>>) target(%arg9 : memref<112x128xf32, #tpu.memory_space<vmem>>) target_semaphore(%arg17 : memref<!tpu.dma_semaphore, #tpu.memory_space<semaphore_mem>>)
    %dma_start3A_18 = arith.constant 0 : i32
    %dma_start3A_19 = tpu.memref_slice %arg3[%multiple_of3A, %dma_start3A_18] : memref<50176x128xf32, #tpu.memory_space<hbm>> -> memref<112x128xf32, #tpu.memory_space<hbm>>
    %dma_start3A_20 = arith.constant 0 : i32
    %dma_start3A_21 = tpu.memref_slice %arg3[%multiple_of3A, %dma_start3A_20] : memref<50176x128xf32, #tpu.memory_space<hbm>> -> memref<112x128xf32, #tpu.memory_space<hbm>>
    tpu.enqueue_dma source(%dma_start3A_21 : memref<112x128xf32, #tpu.memory_space<hbm>>) target(%arg11 : memref<112x128xf32, #tpu.memory_space<vmem>>) target_semaphore(%arg17 : memref<!tpu.dma_semaphore, #tpu.memory_space<semaphore_mem>>)
    %dma_start3A_22 = tpu.memref_slice %arg4[%multiple_of3A_14] : memref<100352xi32, #tpu.memory_space<hbm>> -> memref<112xi32, #tpu.memory_space<hbm>>
    %dma_start3A_23 = tpu.memref_slice %arg4[%multiple_of3A_14] : memref<100352xi32, #tpu.memory_space<hbm>> -> memref<112xi32, #tpu.memory_space<hbm>>
    tpu.enqueue_dma source(%dma_start3A_23 : memref<112xi32, #tpu.memory_space<hbm>>) target(%arg13 : memref<112xi32, #tpu.memory_space<vmem>>) target_semaphore(%arg17 : memref<!tpu.dma_semaphore, #tpu.memory_space<semaphore_mem>>)
    %dma_start3A_24 = tpu.memref_slice %arg5[%multiple_of3A_14] : memref<100352xi32, #tpu.memory_space<hbm>> -> memref<112xi32, #tpu.memory_space<hbm>>
    %dma_start3A_25 = tpu.memref_slice %arg5[%multiple_of3A_14] : memref<100352xi32, #tpu.memory_space<hbm>> -> memref<112xi32, #tpu.memory_space<hbm>>
    tpu.enqueue_dma source(%dma_start3A_25 : memref<112xi32, #tpu.memory_space<hbm>>) target(%arg15 : memref<112xi32, #tpu.memory_space<vmem>>) target_semaphore(%arg17 : memref<!tpu.dma_semaphore, #tpu.memory_space<semaphore_mem>>)
    %scan3A = arith.constant 0 : i32
    %scan3A_26 = arith.constant 0 : i32
    %scan3A_27 = arith.constant 7 : i32
    %scan3A_28 = arith.addi %scan3A_26, %scan3A_27 : i32
    %scan3A_29 = arith.constant 1 : i32
    scf.for %scan3A_63 = %scan3A_26 to %scan3A_28 step %scan3A_29  : i32 {
      %mul3A_64 = arith.constant 2 : i32
      %mul3A_65 = arith.muli %mul3A_64, %scan3A_63 : i32
      %add3A_66 = arith.constant 0 : i32
      %add3A_67 = arith.addi %mul3A_65, %add3A_66 : i32
      %min3A_68 = arith.constant 13 : i32
      %min3A_69 = arith.minsi %add3A_67, %min3A_68 : i32
      %mul3A_70 = arith.constant 112 : i32
      %mul3A_71 = arith.muli %min3A_69, %mul3A_70 : i32
      %add3A_72 = arith.addi %mul3A_6, %mul3A_71 : i32
      %multiple_of3A_73 = tpu.assume_multiple %add3A_72, 8 : i32
      %add3A_74 = arith.constant 0 : i32
      %add3A_75 = arith.addi %add3A_74, %multiple_of3A_73 : i32
      %multiple_of3A_76 = tpu.assume_multiple %add3A_75, 8 : i32
      %dma_wait3A_77 = arith.constant 0 : i32
      %dma_wait3A_78 = tpu.memref_slice %arg2[%multiple_of3A_73, %dma_wait3A_77] : memref<50176x128xf32, #tpu.memory_space<hbm>> -> memref<112x128xf32, #tpu.memory_space<hbm>>
      %dma_wait3A_79 = arith.constant 0 : i32
      %dma_wait3A_80 = tpu.memref_slice %arg2[%multiple_of3A_73, %dma_wait3A_79] : memref<50176x128xf32, #tpu.memory_space<hbm>> -> memref<112x128xf32, #tpu.memory_space<hbm>>
      tpu.wait_dma2 semaphore(%arg17 : memref<!tpu.dma_semaphore, #tpu.memory_space<semaphore_mem>>) src(%dma_wait3A_80 : memref<112x128xf32, #tpu.memory_space<hbm>>) dst(%arg9 : memref<112x128xf32, #tpu.memory_space<vmem>>)
      %dma_wait3A_81 = arith.constant 0 : i32
      %dma_wait3A_82 = tpu.memref_slice %arg3[%multiple_of3A_73, %dma_wait3A_81] : memref<50176x128xf32, #tpu.memory_space<hbm>> -> memref<112x128xf32, #tpu.memory_space<hbm>>
      %dma_wait3A_83 = arith.constant 0 : i32
      %dma_wait3A_84 = tpu.memref_slice %arg3[%multiple_of3A_73, %dma_wait3A_83] : memref<50176x128xf32, #tpu.memory_space<hbm>> -> memref<112x128xf32, #tpu.memory_space<hbm>>
      tpu.wait_dma2 semaphore(%arg17 : memref<!tpu.dma_semaphore, #tpu.memory_space<semaphore_mem>>) src(%dma_wait3A_84 : memref<112x128xf32, #tpu.memory_space<hbm>>) dst(%arg11 : memref<112x128xf32, #tpu.memory_space<vmem>>)
      %dma_wait3A_85 = tpu.memref_slice %arg4[%multiple_of3A_76] : memref<100352xi32, #tpu.memory_space<hbm>> -> memref<112xi32, #tpu.memory_space<hbm>>
      %dma_wait3A_86 = tpu.memref_slice %arg4[%multiple_of3A_76] : memref<100352xi32, #tpu.memory_space<hbm>> -> memref<112xi32, #tpu.memory_space<hbm>>
      tpu.wait_dma2 semaphore(%arg17 : memref<!tpu.dma_semaphore, #tpu.memory_space<semaphore_mem>>) src(%dma_wait3A_86 : memref<112xi32, #tpu.memory_space<hbm>>) dst(%arg13 : memref<112xi32, #tpu.memory_space<vmem>>)
      %dma_wait3A_87 = tpu.memref_slice %arg5[%multiple_of3A_76] : memref<100352xi32, #tpu.memory_space<hbm>> -> memref<112xi32, #tpu.memory_space<hbm>>
      %dma_wait3A_88 = tpu.memref_slice %arg5[%multiple_of3A_76] : memref<100352xi32, #tpu.memory_space<hbm>> -> memref<112xi32, #tpu.memory_space<hbm>>
      tpu.wait_dma2 semaphore(%arg17 : memref<!tpu.dma_semaphore, #tpu.memory_space<semaphore_mem>>) src(%dma_wait3A_88 : memref<112xi32, #tpu.memory_space<hbm>>) dst(%arg15 : memref<112xi32, #tpu.memory_space<vmem>>)
      %ge3A = arith.constant 1 : i32
      %ge3A_89 = arith.cmpi sge, %add3A_67, %ge3A : i32
      %convert_element_type3A = arith.extui %ge3A_89 : i1 to i32
      %cond3A = arith.constant 0 : i32
      %cond3A_90 = arith.cmpi ne, %convert_element_type3A, %cond3A : i32
      scf.if %cond3A_90 {
        %dma_wait3A_179 = arith.constant 0 : i32
        %dma_wait3A_180 = arith.constant 0 : i32
        %dma_wait3A_181 = tpu.memref_slice %arg8[%dma_wait3A_179, %dma_wait3A_180] : memref<5248x128xf32, #tpu.memory_space<vmem_shared>> -> memref<5248x128xf32, #tpu.memory_space<vmem_shared>>
        tpu.wait_indirect_dma semaphore(%arg20 : memref<!tpu.dma_semaphore, #tpu.memory_space<semaphore_mem>>) src(%arg10 : memref<112x128xf32, #tpu.memory_space<vmem>>) dst(%dma_wait3A_181 : memref<5248x128xf32, #tpu.memory_space<vmem_shared>>)
        %dma_wait3A_182 = arith.constant 0 : i32
        %dma_wait3A_183 = arith.constant 0 : i32
        %dma_wait3A_184 = tpu.memref_slice %arg8[%dma_wait3A_182, %dma_wait3A_183] : memref<5248x128xf32, #tpu.memory_space<vmem_shared>> -> memref<5248x128xf32, #tpu.memory_space<vmem_shared>>
        tpu.wait_indirect_dma semaphore(%arg20 : memref<!tpu.dma_semaphore, #tpu.memory_space<semaphore_mem>>) src(%arg12 : memref<112x128xf32, #tpu.memory_space<vmem>>) dst(%dma_wait3A_184 : memref<5248x128xf32, #tpu.memory_space<vmem_shared>>)
      } else {
      }
      %add3A_91 = arith.constant 1 : i32
      %add3A_92 = arith.addi %add3A_67, %add3A_91 : i32
      %min3A_93 = arith.constant 13 : i32
      %min3A_94 = arith.minsi %add3A_92, %min3A_93 : i32
      %mul3A_95 = arith.constant 112 : i32
      %mul3A_96 = arith.muli %min3A_94, %mul3A_95 : i32
      %add3A_97 = arith.addi %mul3A_6, %mul3A_96 : i32
      %multiple_of3A_98 = tpu.assume_multiple %add3A_97, 8 : i32
      %add3A_99 = arith.constant 0 : i32
      %add3A_100 = arith.addi %add3A_99, %multiple_of3A_98 : i32
      %multiple_of3A_101 = tpu.assume_multiple %add3A_100, 8 : i32
      %dma_start3A_102 = arith.constant 0 : i32
      %dma_start3A_103 = tpu.memref_slice %arg2[%multiple_of3A_98, %dma_start3A_102] : memref<50176x128xf32, #tpu.memory_space<hbm>> -> memref<112x128xf32, #tpu.memory_space<hbm>>
      %dma_start3A_104 = arith.constant 0 : i32
      %dma_start3A_105 = tpu.memref_slice %arg2[%multiple_of3A_98, %dma_start3A_104] : memref<50176x128xf32, #tpu.memory_space<hbm>> -> memref<112x128xf32, #tpu.memory_space<hbm>>
      tpu.enqueue_dma source(%dma_start3A_105 : memref<112x128xf32, #tpu.memory_space<hbm>>) target(%arg10 : memref<112x128xf32, #tpu.memory_space<vmem>>) target_semaphore(%arg18 : memref<!tpu.dma_semaphore, #tpu.memory_space<semaphore_mem>>)
      %dma_start3A_106 = arith.constant 0 : i32
      %dma_start3A_107 = tpu.memref_slice %arg3[%multiple_of3A_98, %dma_start3A_106] : memref<50176x128xf32, #tpu.memory_space<hbm>> -> memref<112x128xf32, #tpu.memory_space<hbm>>
      %dma_start3A_108 = arith.constant 0 : i32
      %dma_start3A_109 = tpu.memref_slice %arg3[%multiple_of3A_98, %dma_start3A_108] : memref<50176x128xf32, #tpu.memory_space<hbm>> -> memref<112x128xf32, #tpu.memory_space<hbm>>
      tpu.enqueue_dma source(%dma_start3A_109 : memref<112x128xf32, #tpu.memory_space<hbm>>) target(%arg12 : memref<112x128xf32, #tpu.memory_space<vmem>>) target_semaphore(%arg18 : memref<!tpu.dma_semaphore, #tpu.memory_space<semaphore_mem>>)
      %dma_start3A_110 = tpu.memref_slice %arg4[%multiple_of3A_101] : memref<100352xi32, #tpu.memory_space<hbm>> -> memref<112xi32, #tpu.memory_space<hbm>>
      %dma_start3A_111 = tpu.memref_slice %arg4[%multiple_of3A_101] : memref<100352xi32, #tpu.memory_space<hbm>> -> memref<112xi32, #tpu.memory_space<hbm>>
      tpu.enqueue_dma source(%dma_start3A_111 : memref<112xi32, #tpu.memory_space<hbm>>) target(%arg14 : memref<112xi32, #tpu.memory_space<vmem>>) target_semaphore(%arg18 : memref<!tpu.dma_semaphore, #tpu.memory_space<semaphore_mem>>)
      %dma_start3A_112 = tpu.memref_slice %arg5[%multiple_of3A_101] : memref<100352xi32, #tpu.memory_space<hbm>> -> memref<112xi32, #tpu.memory_space<hbm>>
      %dma_start3A_113 = tpu.memref_slice %arg5[%multiple_of3A_101] : memref<100352xi32, #tpu.memory_space<hbm>> -> memref<112xi32, #tpu.memory_space<hbm>>
      tpu.enqueue_dma source(%dma_start3A_113 : memref<112xi32, #tpu.memory_space<hbm>>) target(%arg16 : memref<112xi32, #tpu.memory_space<vmem>>) target_semaphore(%arg18 : memref<!tpu.dma_semaphore, #tpu.memory_space<semaphore_mem>>)
      %dma_start3A_114 = arith.constant 0 : i32
      %dma_start3A_115 = arith.constant 0 : i32
      %dma_start3A_116 = tpu.memref_slice %arg8[%dma_start3A_114, %dma_start3A_115] : memref<5248x128xf32, #tpu.memory_space<vmem_shared>> -> memref<5248x128xf32, #tpu.memory_space<vmem_shared>>
      tpu.enqueue_indirect_dma source(%arg9 : memref<112x128xf32, #tpu.memory_space<vmem>>) target(%dma_start3A_116 : memref<5248x128xf32, #tpu.memory_space<vmem_shared>>) offsets(%arg13 : memref<112xi32, #tpu.memory_space<vmem>>) semaphore(%arg19 : memref<!tpu.dma_semaphore, #tpu.memory_space<semaphore_mem>>) {add = true}
      %dma_start3A_117 = arith.constant 0 : i32
      %dma_start3A_118 = arith.constant 0 : i32
      %dma_start3A_119 = tpu.memref_slice %arg8[%dma_start3A_117, %dma_start3A_118] : memref<5248x128xf32, #tpu.memory_space<vmem_shared>> -> memref<5248x128xf32, #tpu.memory_space<vmem_shared>>
      tpu.enqueue_indirect_dma source(%arg11 : memref<112x128xf32, #tpu.memory_space<vmem>>) target(%dma_start3A_119 : memref<5248x128xf32, #tpu.memory_space<vmem_shared>>) offsets(%arg15 : memref<112xi32, #tpu.memory_space<vmem>>) semaphore(%arg19 : memref<!tpu.dma_semaphore, #tpu.memory_space<semaphore_mem>>) {add = true}
      %mul3A_120 = arith.constant 2 : i32
      %mul3A_121 = arith.muli %mul3A_120, %scan3A_63 : i32
      %add3A_122 = arith.constant 1 : i32
      %add3A_123 = arith.addi %mul3A_121, %add3A_122 : i32
      %min3A_124 = arith.constant 13 : i32
      %min3A_125 = arith.minsi %add3A_123, %min3A_124 : i32
      %mul3A_126 = arith.constant 112 : i32
      %mul3A_127 = arith.muli %min3A_125, %mul3A_126 : i32
      %add3A_128 = arith.addi %mul3A_6, %mul3A_127 : i32
      %multiple_of3A_129 = tpu.assume_multiple %add3A_128, 8 : i32
      %add3A_130 = arith.constant 0 : i32
      %add3A_131 = arith.addi %add3A_130, %multiple_of3A_129 : i32
      %multiple_of3A_132 = tpu.assume_multiple %add3A_131, 8 : i32
      %dma_wait3A_133 = arith.constant 0 : i32
      %dma_wait3A_134 = tpu.memref_slice %arg2[%multiple_of3A_129, %dma_wait3A_133] : memref<50176x128xf32, #tpu.memory_space<hbm>> -> memref<112x128xf32, #tpu.memory_space<hbm>>
      %dma_wait3A_135 = arith.constant 0 : i32
      %dma_wait3A_136 = tpu.memref_slice %arg2[%multiple_of3A_129, %dma_wait3A_135] : memref<50176x128xf32, #tpu.memory_space<hbm>> -> memref<112x128xf32, #tpu.memory_space<hbm>>
      tpu.wait_dma2 semaphore(%arg18 : memref<!tpu.dma_semaphore, #tpu.memory_space<semaphore_mem>>) src(%dma_wait3A_136 : memref<112x128xf32, #tpu.memory_space<hbm>>) dst(%arg10 : memref<112x128xf32, #tpu.memory_space<vmem>>)
      %dma_wait3A_137 = arith.constant 0 : i32
      %dma_wait3A_138 = tpu.memref_slice %arg3[%multiple_of3A_129, %dma_wait3A_137] : memref<50176x128xf32, #tpu.memory_space<hbm>> -> memref<112x128xf32, #tpu.memory_space<hbm>>
      %dma_wait3A_139 = arith.constant 0 : i32
      %dma_wait3A_140 = tpu.memref_slice %arg3[%multiple_of3A_129, %dma_wait3A_139] : memref<50176x128xf32, #tpu.memory_space<hbm>> -> memref<112x128xf32, #tpu.memory_space<hbm>>
      tpu.wait_dma2 semaphore(%arg18 : memref<!tpu.dma_semaphore, #tpu.memory_space<semaphore_mem>>) src(%dma_wait3A_140 : memref<112x128xf32, #tpu.memory_space<hbm>>) dst(%arg12 : memref<112x128xf32, #tpu.memory_space<vmem>>)
      %dma_wait3A_141 = tpu.memref_slice %arg4[%multiple_of3A_132] : memref<100352xi32, #tpu.memory_space<hbm>> -> memref<112xi32, #tpu.memory_space<hbm>>
      %dma_wait3A_142 = tpu.memref_slice %arg4[%multiple_of3A_132] : memref<100352xi32, #tpu.memory_space<hbm>> -> memref<112xi32, #tpu.memory_space<hbm>>
      tpu.wait_dma2 semaphore(%arg18 : memref<!tpu.dma_semaphore, #tpu.memory_space<semaphore_mem>>) src(%dma_wait3A_142 : memref<112xi32, #tpu.memory_space<hbm>>) dst(%arg14 : memref<112xi32, #tpu.memory_space<vmem>>)
      %dma_wait3A_143 = tpu.memref_slice %arg5[%multiple_of3A_132] : memref<100352xi32, #tpu.memory_space<hbm>> -> memref<112xi32, #tpu.memory_space<hbm>>
      %dma_wait3A_144 = tpu.memref_slice %arg5[%multiple_of3A_132] : memref<100352xi32, #tpu.memory_space<hbm>> -> memref<112xi32, #tpu.memory_space<hbm>>
      tpu.wait_dma2 semaphore(%arg18 : memref<!tpu.dma_semaphore, #tpu.memory_space<semaphore_mem>>) src(%dma_wait3A_144 : memref<112xi32, #tpu.memory_space<hbm>>) dst(%arg16 : memref<112xi32, #tpu.memory_space<vmem>>)
      %ge3A_145 = arith.constant 1 : i32
      %ge3A_146 = arith.cmpi sge, %add3A_123, %ge3A_145 : i32
      %convert_element_type3A_147 = arith.extui %ge3A_146 : i1 to i32
      %cond3A_148 = arith.constant 0 : i32
      %cond3A_149 = arith.cmpi ne, %convert_element_type3A_147, %cond3A_148 : i32
      scf.if %cond3A_149 {
        %dma_wait3A_179 = arith.constant 0 : i32
        %dma_wait3A_180 = arith.constant 0 : i32
        %dma_wait3A_181 = tpu.memref_slice %arg8[%dma_wait3A_179, %dma_wait3A_180] : memref<5248x128xf32, #tpu.memory_space<vmem_shared>> -> memref<5248x128xf32, #tpu.memory_space<vmem_shared>>
        tpu.wait_indirect_dma semaphore(%arg19 : memref<!tpu.dma_semaphore, #tpu.memory_space<semaphore_mem>>) src(%arg9 : memref<112x128xf32, #tpu.memory_space<vmem>>) dst(%dma_wait3A_181 : memref<5248x128xf32, #tpu.memory_space<vmem_shared>>)
        %dma_wait3A_182 = arith.constant 0 : i32
        %dma_wait3A_183 = arith.constant 0 : i32
        %dma_wait3A_184 = tpu.memref_slice %arg8[%dma_wait3A_182, %dma_wait3A_183] : memref<5248x128xf32, #tpu.memory_space<vmem_shared>> -> memref<5248x128xf32, #tpu.memory_space<vmem_shared>>
        tpu.wait_indirect_dma semaphore(%arg19 : memref<!tpu.dma_semaphore, #tpu.memory_space<semaphore_mem>>) src(%arg11 : memref<112x128xf32, #tpu.memory_space<vmem>>) dst(%dma_wait3A_184 : memref<5248x128xf32, #tpu.memory_space<vmem_shared>>)
      } else {
      }
      %add3A_150 = arith.constant 1 : i32
      %add3A_151 = arith.addi %add3A_123, %add3A_150 : i32
      %min3A_152 = arith.constant 13 : i32
      %min3A_153 = arith.minsi %add3A_151, %min3A_152 : i32
      %mul3A_154 = arith.constant 112 : i32
      %mul3A_155 = arith.muli %min3A_153, %mul3A_154 : i32
      %add3A_156 = arith.addi %mul3A_6, %mul3A_155 : i32
      %multiple_of3A_157 = tpu.assume_multiple %add3A_156, 8 : i32
      %add3A_158 = arith.constant 0 : i32
      %add3A_159 = arith.addi %add3A_158, %multiple_of3A_157 : i32
      %multiple_of3A_160 = tpu.assume_multiple %add3A_159, 8 : i32
      %dma_start3A_161 = arith.constant 0 : i32
      %dma_start3A_162 = tpu.memref_slice %arg2[%multiple_of3A_157, %dma_start3A_161] : memref<50176x128xf32, #tpu.memory_space<hbm>> -> memref<112x128xf32, #tpu.memory_space<hbm>>
      %dma_start3A_163 = arith.constant 0 : i32
      %dma_start3A_164 = tpu.memref_slice %arg2[%multiple_of3A_157, %dma_start3A_163] : memref<50176x128xf32, #tpu.memory_space<hbm>> -> memref<112x128xf32, #tpu.memory_space<hbm>>
      tpu.enqueue_dma source(%dma_start3A_164 : memref<112x128xf32, #tpu.memory_space<hbm>>) target(%arg9 : memref<112x128xf32, #tpu.memory_space<vmem>>) target_semaphore(%arg17 : memref<!tpu.dma_semaphore, #tpu.memory_space<semaphore_mem>>)
      %dma_start3A_165 = arith.constant 0 : i32
      %dma_start3A_166 = tpu.memref_slice %arg3[%multiple_of3A_157, %dma_start3A_165] : memref<50176x128xf32, #tpu.memory_space<hbm>> -> memref<112x128xf32, #tpu.memory_space<hbm>>
      %dma_start3A_167 = arith.constant 0 : i32
      %dma_start3A_168 = tpu.memref_slice %arg3[%multiple_of3A_157, %dma_start3A_167] : memref<50176x128xf32, #tpu.memory_space<hbm>> -> memref<112x128xf32, #tpu.memory_space<hbm>>
      tpu.enqueue_dma source(%dma_start3A_168 : memref<112x128xf32, #tpu.memory_space<hbm>>) target(%arg11 : memref<112x128xf32, #tpu.memory_space<vmem>>) target_semaphore(%arg17 : memref<!tpu.dma_semaphore, #tpu.memory_space<semaphore_mem>>)
      %dma_start3A_169 = tpu.memref_slice %arg4[%multiple_of3A_160] : memref<100352xi32, #tpu.memory_space<hbm>> -> memref<112xi32, #tpu.memory_space<hbm>>
      %dma_start3A_170 = tpu.memref_slice %arg4[%multiple_of3A_160] : memref<100352xi32, #tpu.memory_space<hbm>> -> memref<112xi32, #tpu.memory_space<hbm>>
      tpu.enqueue_dma source(%dma_start3A_170 : memref<112xi32, #tpu.memory_space<hbm>>) target(%arg13 : memref<112xi32, #tpu.memory_space<vmem>>) target_semaphore(%arg17 : memref<!tpu.dma_semaphore, #tpu.memory_space<semaphore_mem>>)
      %dma_start3A_171 = tpu.memref_slice %arg5[%multiple_of3A_160] : memref<100352xi32, #tpu.memory_space<hbm>> -> memref<112xi32, #tpu.memory_space<hbm>>
      %dma_start3A_172 = tpu.memref_slice %arg5[%multiple_of3A_160] : memref<100352xi32, #tpu.memory_space<hbm>> -> memref<112xi32, #tpu.memory_space<hbm>>
      tpu.enqueue_dma source(%dma_start3A_172 : memref<112xi32, #tpu.memory_space<hbm>>) target(%arg15 : memref<112xi32, #tpu.memory_space<vmem>>) target_semaphore(%arg17 : memref<!tpu.dma_semaphore, #tpu.memory_space<semaphore_mem>>)
      %dma_start3A_173 = arith.constant 0 : i32
      %dma_start3A_174 = arith.constant 0 : i32
      %dma_start3A_175 = tpu.memref_slice %arg8[%dma_start3A_173, %dma_start3A_174] : memref<5248x128xf32, #tpu.memory_space<vmem_shared>> -> memref<5248x128xf32, #tpu.memory_space<vmem_shared>>
      tpu.enqueue_indirect_dma source(%arg10 : memref<112x128xf32, #tpu.memory_space<vmem>>) target(%dma_start3A_175 : memref<5248x128xf32, #tpu.memory_space<vmem_shared>>) offsets(%arg14 : memref<112xi32, #tpu.memory_space<vmem>>) semaphore(%arg20 : memref<!tpu.dma_semaphore, #tpu.memory_space<semaphore_mem>>) {add = true}
      %dma_start3A_176 = arith.constant 0 : i32
      %dma_start3A_177 = arith.constant 0 : i32
      %dma_start3A_178 = tpu.memref_slice %arg8[%dma_start3A_176, %dma_start3A_177] : memref<5248x128xf32, #tpu.memory_space<vmem_shared>> -> memref<5248x128xf32, #tpu.memory_space<vmem_shared>>
      tpu.enqueue_indirect_dma source(%arg12 : memref<112x128xf32, #tpu.memory_space<vmem>>) target(%dma_start3A_178 : memref<5248x128xf32, #tpu.memory_space<vmem_shared>>) offsets(%arg16 : memref<112xi32, #tpu.memory_space<vmem>>) semaphore(%arg20 : memref<!tpu.dma_semaphore, #tpu.memory_space<semaphore_mem>>) {add = true}
    }
    %scan3A_30 = arith.constant 7 : i32
    %min3A_31 = arith.constant 14 : i32
    %min3A_32 = arith.constant 13 : i32
    %min3A_33 = arith.minsi %min3A_31, %min3A_32 : i32
    %mul3A_34 = arith.constant 112 : i32
    %mul3A_35 = arith.muli %min3A_33, %mul3A_34 : i32
    %add3A_36 = arith.addi %mul3A_6, %mul3A_35 : i32
    %multiple_of3A_37 = tpu.assume_multiple %add3A_36, 8 : i32
    %add3A_38 = arith.constant 0 : i32
    %add3A_39 = arith.addi %add3A_38, %multiple_of3A_37 : i32
    %multiple_of3A_40 = tpu.assume_multiple %add3A_39, 8 : i32
    %dma_wait3A = arith.constant 0 : i32
    %dma_wait3A_41 = tpu.memref_slice %arg2[%multiple_of3A_37, %dma_wait3A] : memref<50176x128xf32, #tpu.memory_space<hbm>> -> memref<112x128xf32, #tpu.memory_space<hbm>>
    %dma_wait3A_42 = arith.constant 0 : i32
    %dma_wait3A_43 = tpu.memref_slice %arg2[%multiple_of3A_37, %dma_wait3A_42] : memref<50176x128xf32, #tpu.memory_space<hbm>> -> memref<112x128xf32, #tpu.memory_space<hbm>>
    tpu.wait_dma2 semaphore(%arg17 : memref<!tpu.dma_semaphore, #tpu.memory_space<semaphore_mem>>) src(%dma_wait3A_43 : memref<112x128xf32, #tpu.memory_space<hbm>>) dst(%arg9 : memref<112x128xf32, #tpu.memory_space<vmem>>)
    %dma_wait3A_44 = arith.constant 0 : i32
    %dma_wait3A_45 = tpu.memref_slice %arg3[%multiple_of3A_37, %dma_wait3A_44] : memref<50176x128xf32, #tpu.memory_space<hbm>> -> memref<112x128xf32, #tpu.memory_space<hbm>>
    %dma_wait3A_46 = arith.constant 0 : i32
    %dma_wait3A_47 = tpu.memref_slice %arg3[%multiple_of3A_37, %dma_wait3A_46] : memref<50176x128xf32, #tpu.memory_space<hbm>> -> memref<112x128xf32, #tpu.memory_space<hbm>>
    tpu.wait_dma2 semaphore(%arg17 : memref<!tpu.dma_semaphore, #tpu.memory_space<semaphore_mem>>) src(%dma_wait3A_47 : memref<112x128xf32, #tpu.memory_space<hbm>>) dst(%arg11 : memref<112x128xf32, #tpu.memory_space<vmem>>)
    %dma_wait3A_48 = tpu.memref_slice %arg4[%multiple_of3A_40] : memref<100352xi32, #tpu.memory_space<hbm>> -> memref<112xi32, #tpu.memory_space<hbm>>
    %dma_wait3A_49 = tpu.memref_slice %arg4[%multiple_of3A_40] : memref<100352xi32, #tpu.memory_space<hbm>> -> memref<112xi32, #tpu.memory_space<hbm>>
    tpu.wait_dma2 semaphore(%arg17 : memref<!tpu.dma_semaphore, #tpu.memory_space<semaphore_mem>>) src(%dma_wait3A_49 : memref<112xi32, #tpu.memory_space<hbm>>) dst(%arg13 : memref<112xi32, #tpu.memory_space<vmem>>)
    %dma_wait3A_50 = tpu.memref_slice %arg5[%multiple_of3A_40] : memref<100352xi32, #tpu.memory_space<hbm>> -> memref<112xi32, #tpu.memory_space<hbm>>
    %dma_wait3A_51 = tpu.memref_slice %arg5[%multiple_of3A_40] : memref<100352xi32, #tpu.memory_space<hbm>> -> memref<112xi32, #tpu.memory_space<hbm>>
    tpu.wait_dma2 semaphore(%arg17 : memref<!tpu.dma_semaphore, #tpu.memory_space<semaphore_mem>>) src(%dma_wait3A_51 : memref<112xi32, #tpu.memory_space<hbm>>) dst(%arg15 : memref<112xi32, #tpu.memory_space<vmem>>)
    %dma_wait3A_52 = arith.constant 0 : i32
    %dma_wait3A_53 = arith.constant 0 : i32
    %dma_wait3A_54 = tpu.memref_slice %arg8[%dma_wait3A_52, %dma_wait3A_53] : memref<5248x128xf32, #tpu.memory_space<vmem_shared>> -> memref<5248x128xf32, #tpu.memory_space<vmem_shared>>
    tpu.wait_indirect_dma semaphore(%arg20 : memref<!tpu.dma_semaphore, #tpu.memory_space<semaphore_mem>>) src(%arg10 : memref<112x128xf32, #tpu.memory_space<vmem>>) dst(%dma_wait3A_54 : memref<5248x128xf32, #tpu.memory_space<vmem_shared>>)
    %dma_wait3A_55 = arith.constant 0 : i32
    %dma_wait3A_56 = arith.constant 0 : i32
    %dma_wait3A_57 = tpu.memref_slice %arg8[%dma_wait3A_55, %dma_wait3A_56] : memref<5248x128xf32, #tpu.memory_space<vmem_shared>> -> memref<5248x128xf32, #tpu.memory_space<vmem_shared>>
    tpu.wait_indirect_dma semaphore(%arg20 : memref<!tpu.dma_semaphore, #tpu.memory_space<semaphore_mem>>) src(%arg12 : memref<112x128xf32, #tpu.memory_space<vmem>>) dst(%dma_wait3A_57 : memref<5248x128xf32, #tpu.memory_space<vmem_shared>>)
    %barrier3A_58 = arith.constant 0 : index
    tpu.barrier barrier_id(%barrier3A_58)
    %mul3A_59 = arith.constant 328 : i32
    %mul3A_60 = arith.muli %arg1, %mul3A_59 : i32
    %mul3A_61 = arith.constant 328 : i32
    %mul3A_62 = arith.muli %arg1, %mul3A_61 : i32
    "tpu.region"() ({
      %run_scoped3A = tpu.sem_alloc : memref<!tpu.dma_semaphore, #tpu.memory_space<semaphore_mem>>
      %dma_start3A_63 = arith.constant 0 : i32
      %dma_start3A_64 = tpu.memref_slice %arg7[%arg0, %mul3A_62, %dma_start3A_63] : memref<2x5248x128xf32, #tpu.memory_space<hbm>> -> memref<1x328x128xf32, #tpu.memory_space<hbm>>
      %dma_start3A_65 = tpu.memref_squeeze %dma_start3A_64 : memref<1x328x128xf32, #tpu.memory_space<hbm>> -> memref<328x128xf32, #tpu.memory_space<hbm>>
      %dma_start3A_66 = arith.constant 0 : i32
      %dma_start3A_67 = tpu.memref_slice %arg8[%mul3A_60, %dma_start3A_66] : memref<5248x128xf32, #tpu.memory_space<vmem_shared>> -> memref<328x128xf32, #tpu.memory_space<vmem_shared>>
      tpu.enqueue_dma source(%dma_start3A_67 : memref<328x128xf32, #tpu.memory_space<vmem_shared>>) target(%dma_start3A_65 : memref<328x128xf32, #tpu.memory_space<hbm>>) target_semaphore(%run_scoped3A : memref<!tpu.dma_semaphore, #tpu.memory_space<semaphore_mem>>)
      %dma_wait3A_68 = arith.constant 0 : i32
      %dma_wait3A_69 = tpu.memref_slice %arg7[%arg0, %mul3A_62, %dma_wait3A_68] : memref<2x5248x128xf32, #tpu.memory_space<hbm>> -> memref<1x328x128xf32, #tpu.memory_space<hbm>>
      %dma_wait3A_70 = tpu.memref_squeeze %dma_wait3A_69 : memref<1x328x128xf32, #tpu.memory_space<hbm>> -> memref<328x128xf32, #tpu.memory_space<hbm>>
      %dma_wait3A_71 = arith.constant 0 : i32
      %dma_wait3A_72 = tpu.memref_slice %arg8[%mul3A_60, %dma_wait3A_71] : memref<5248x128xf32, #tpu.memory_space<vmem_shared>> -> memref<328x128xf32, #tpu.memory_space<vmem_shared>>
      tpu.wait_dma2 semaphore(%run_scoped3A : memref<!tpu.dma_semaphore, #tpu.memory_space<semaphore_mem>>) src(%dma_wait3A_72 : memref<328x128xf32, #tpu.memory_space<vmem_shared>>) dst(%dma_wait3A_70 : memref<328x128xf32, #tpu.memory_space<hbm>>)
      tpu.yield
    }) : () -> ()
    return
  }
}

#map = affine_map<(d0, d1) -> (0, 0)>
#map1 = affine_map<(d0, d1) -> (0)>
#map2 = affine_map<(d0, d1) -> (0, 0, 0)>
module attributes {stable_mosaic.version = 14 : i64} {
  func.func @_sc_body(%arg0: i32, %arg1: i32, %arg2: memref<50176x128xf32, #tpu.memory_space<hbm>>, %arg3: memref<50176x128xf32, #tpu.memory_space<hbm>>, %arg4: memref<100352xi32, #tpu.memory_space<hbm>>, %arg5: memref<100352xi32, #tpu.memory_space<hbm>>, %arg6: memref<5248x128xf32, #tpu.memory_space<hbm>>, %arg7: memref<2x5248x128xf32, #tpu.memory_space<hbm>>, %arg8: memref<5248x128xf32, #tpu.memory_space<vmem_shared>>, %arg9: memref<112x128xf32, #tpu.memory_space<vmem>>, %arg10: memref<112x128xf32, #tpu.memory_space<vmem>>, %arg11: memref<112x128xf32, #tpu.memory_space<vmem>>, %arg12: memref<112x128xf32, #tpu.memory_space<vmem>>, %arg13: memref<112xi32, #tpu.memory_space<vmem>>, %arg14: memref<112xi32, #tpu.memory_space<vmem>>, %arg15: memref<112xi32, #tpu.memory_space<vmem>>, %arg16: memref<112xi32, #tpu.memory_space<vmem>>, %arg17: memref<!tpu.dma_semaphore, #tpu.memory_space<semaphore_mem>>, %arg18: memref<!tpu.dma_semaphore, #tpu.memory_space<semaphore_mem>>, %arg19: memref<!tpu.dma_semaphore, #tpu.memory_space<semaphore_mem>>, %arg20: memref<!tpu.dma_semaphore, #tpu.memory_space<semaphore_mem>>) attributes {dimension_semantics = [#tpu.dimension_semantics<core_parallel>, #tpu.dimension_semantics<subcore_parallel>], iteration_bounds = array<i64: 2, 16>, scalar_prefetch = 0 : i64, scratch_operands = 13 : i64, tpu.core_type = #tpu.core_type<sc_vector_subcore>, window_params = [{transform_indices = #map}, {transform_indices = #map}, {transform_indices = #map1}, {transform_indices = #map1}, {transform_indices = #map}, {transform_indices = #map2}]} {
    %mul3A = arith.constant 16 : i32
    %mul3A_0 = arith.muli %arg0, %mul3A : i32
    %add3A = arith.addi %mul3A_0, %arg1 : i32
    %mul3A_1 = arith.constant 328 : i32
    %mul3A_2 = arith.muli %arg1, %mul3A_1 : i32
    %mul3A_3 = arith.constant 328 : i32
    %mul3A_4 = arith.muli %arg1, %mul3A_3 : i32
    "tpu.region"() ({
      %run_scoped3A = tpu.sem_alloc : memref<!tpu.dma_semaphore, #tpu.memory_space<semaphore_mem>>
      %dma_start3A_63 = arith.constant 0 : i32
      %dma_start3A_64 = tpu.memref_slice %arg8[%mul3A_4, %dma_start3A_63] : memref<5248x128xf32, #tpu.memory_space<vmem_shared>> -> memref<328x128xf32, #tpu.memory_space<vmem_shared>>
      %dma_start3A_65 = arith.constant 0 : i32
      %dma_start3A_66 = tpu.memref_slice %arg6[%mul3A_2, %dma_start3A_65] : memref<5248x128xf32, #tpu.memory_space<hbm>> -> memref<328x128xf32, #tpu.memory_space<hbm>>
      tpu.enqueue_dma source(%dma_start3A_66 : memref<328x128xf32, #tpu.memory_space<hbm>>) target(%dma_start3A_64 : memref<328x128xf32, #tpu.memory_space<vmem_shared>>) target_semaphore(%run_scoped3A : memref<!tpu.dma_semaphore, #tpu.memory_space<semaphore_mem>>)
      %dma_wait3A_67 = arith.constant 0 : i32
      %dma_wait3A_68 = tpu.memref_slice %arg8[%mul3A_4, %dma_wait3A_67] : memref<5248x128xf32, #tpu.memory_space<vmem_shared>> -> memref<328x128xf32, #tpu.memory_space<vmem_shared>>
      %dma_wait3A_69 = arith.constant 0 : i32
      %dma_wait3A_70 = tpu.memref_slice %arg6[%mul3A_2, %dma_wait3A_69] : memref<5248x128xf32, #tpu.memory_space<hbm>> -> memref<328x128xf32, #tpu.memory_space<hbm>>
      tpu.wait_dma2 semaphore(%run_scoped3A : memref<!tpu.dma_semaphore, #tpu.memory_space<semaphore_mem>>) src(%dma_wait3A_70 : memref<328x128xf32, #tpu.memory_space<hbm>>) dst(%dma_wait3A_68 : memref<328x128xf32, #tpu.memory_space<vmem_shared>>)
      tpu.yield
    }) : () -> ()
    %barrier3A = arith.constant 0 : index
    tpu.barrier barrier_id(%barrier3A)
    %mul3A_5 = arith.constant 1568 : i32
    %mul3A_6 = arith.muli %add3A, %mul3A_5 : i32
    %min3A = arith.constant 0 : i32
    %min3A_7 = arith.constant 13 : i32
    %min3A_8 = arith.minsi %min3A, %min3A_7 : i32
    %mul3A_9 = arith.constant 112 : i32
    %mul3A_10 = arith.muli %min3A_8, %mul3A_9 : i32
    %add3A_11 = arith.addi %mul3A_6, %mul3A_10 : i32
    %multiple_of3A = tpu.assume_multiple %add3A_11, 8 : i32
    %add3A_12 = arith.constant 50176 : i32
    %add3A_13 = arith.addi %add3A_12, %multiple_of3A : i32
    %multiple_of3A_14 = tpu.assume_multiple %add3A_13, 8 : i32
    %dma_start3A = arith.constant 0 : i32
    %dma_start3A_15 = tpu.memref_slice %arg2[%multiple_of3A, %dma_start3A] : memref<50176x128xf32, #tpu.memory_space<hbm>> -> memref<112x128xf32, #tpu.memory_space<hbm>>
    %dma_start3A_16 = arith.constant 0 : i32
    %dma_start3A_17 = tpu.memref_slice %arg2[%multiple_of3A, %dma_start3A_16] : memref<50176x128xf32, #tpu.memory_space<hbm>> -> memref<112x128xf32, #tpu.memory_space<hbm>>
    tpu.enqueue_dma source(%dma_start3A_17 : memref<112x128xf32, #tpu.memory_space<hbm>>) target(%arg9 : memref<112x128xf32, #tpu.memory_space<vmem>>) target_semaphore(%arg17 : memref<!tpu.dma_semaphore, #tpu.memory_space<semaphore_mem>>)
    %dma_start3A_18 = arith.constant 0 : i32
    %dma_start3A_19 = tpu.memref_slice %arg3[%multiple_of3A, %dma_start3A_18] : memref<50176x128xf32, #tpu.memory_space<hbm>> -> memref<112x128xf32, #tpu.memory_space<hbm>>
    %dma_start3A_20 = arith.constant 0 : i32
    %dma_start3A_21 = tpu.memref_slice %arg3[%multiple_of3A, %dma_start3A_20] : memref<50176x128xf32, #tpu.memory_space<hbm>> -> memref<112x128xf32, #tpu.memory_space<hbm>>
    tpu.enqueue_dma source(%dma_start3A_21 : memref<112x128xf32, #tpu.memory_space<hbm>>) target(%arg11 : memref<112x128xf32, #tpu.memory_space<vmem>>) target_semaphore(%arg17 : memref<!tpu.dma_semaphore, #tpu.memory_space<semaphore_mem>>)
    %dma_start3A_22 = tpu.memref_slice %arg4[%multiple_of3A_14] : memref<100352xi32, #tpu.memory_space<hbm>> -> memref<112xi32, #tpu.memory_space<hbm>>
    %dma_start3A_23 = tpu.memref_slice %arg4[%multiple_of3A_14] : memref<100352xi32, #tpu.memory_space<hbm>> -> memref<112xi32, #tpu.memory_space<hbm>>
    tpu.enqueue_dma source(%dma_start3A_23 : memref<112xi32, #tpu.memory_space<hbm>>) target(%arg13 : memref<112xi32, #tpu.memory_space<vmem>>) target_semaphore(%arg17 : memref<!tpu.dma_semaphore, #tpu.memory_space<semaphore_mem>>)
    %dma_start3A_24 = tpu.memref_slice %arg5[%multiple_of3A_14] : memref<100352xi32, #tpu.memory_space<hbm>> -> memref<112xi32, #tpu.memory_space<hbm>>
    %dma_start3A_25 = tpu.memref_slice %arg5[%multiple_of3A_14] : memref<100352xi32, #tpu.memory_space<hbm>> -> memref<112xi32, #tpu.memory_space<hbm>>
    tpu.enqueue_dma source(%dma_start3A_25 : memref<112xi32, #tpu.memory_space<hbm>>) target(%arg15 : memref<112xi32, #tpu.memory_space<vmem>>) target_semaphore(%arg17 : memref<!tpu.dma_semaphore, #tpu.memory_space<semaphore_mem>>)
    %scan3A = arith.constant 0 : i32
    %scan3A_26 = arith.constant 0 : i32
    %scan3A_27 = arith.constant 7 : i32
    %scan3A_28 = arith.addi %scan3A_26, %scan3A_27 : i32
    %scan3A_29 = arith.constant 1 : i32
    scf.for %scan3A_63 = %scan3A_26 to %scan3A_28 step %scan3A_29  : i32 {
      %mul3A_64 = arith.constant 2 : i32
      %mul3A_65 = arith.muli %mul3A_64, %scan3A_63 : i32
      %add3A_66 = arith.constant 0 : i32
      %add3A_67 = arith.addi %mul3A_65, %add3A_66 : i32
      %min3A_68 = arith.constant 13 : i32
      %min3A_69 = arith.minsi %add3A_67, %min3A_68 : i32
      %mul3A_70 = arith.constant 112 : i32
      %mul3A_71 = arith.muli %min3A_69, %mul3A_70 : i32
      %add3A_72 = arith.addi %mul3A_6, %mul3A_71 : i32
      %multiple_of3A_73 = tpu.assume_multiple %add3A_72, 8 : i32
      %add3A_74 = arith.constant 50176 : i32
      %add3A_75 = arith.addi %add3A_74, %multiple_of3A_73 : i32
      %multiple_of3A_76 = tpu.assume_multiple %add3A_75, 8 : i32
      %dma_wait3A_77 = arith.constant 0 : i32
      %dma_wait3A_78 = tpu.memref_slice %arg2[%multiple_of3A_73, %dma_wait3A_77] : memref<50176x128xf32, #tpu.memory_space<hbm>> -> memref<112x128xf32, #tpu.memory_space<hbm>>
      %dma_wait3A_79 = arith.constant 0 : i32
      %dma_wait3A_80 = tpu.memref_slice %arg2[%multiple_of3A_73, %dma_wait3A_79] : memref<50176x128xf32, #tpu.memory_space<hbm>> -> memref<112x128xf32, #tpu.memory_space<hbm>>
      tpu.wait_dma2 semaphore(%arg17 : memref<!tpu.dma_semaphore, #tpu.memory_space<semaphore_mem>>) src(%dma_wait3A_80 : memref<112x128xf32, #tpu.memory_space<hbm>>) dst(%arg9 : memref<112x128xf32, #tpu.memory_space<vmem>>)
      %dma_wait3A_81 = arith.constant 0 : i32
      %dma_wait3A_82 = tpu.memref_slice %arg3[%multiple_of3A_73, %dma_wait3A_81] : memref<50176x128xf32, #tpu.memory_space<hbm>> -> memref<112x128xf32, #tpu.memory_space<hbm>>
      %dma_wait3A_83 = arith.constant 0 : i32
      %dma_wait3A_84 = tpu.memref_slice %arg3[%multiple_of3A_73, %dma_wait3A_83] : memref<50176x128xf32, #tpu.memory_space<hbm>> -> memref<112x128xf32, #tpu.memory_space<hbm>>
      tpu.wait_dma2 semaphore(%arg17 : memref<!tpu.dma_semaphore, #tpu.memory_space<semaphore_mem>>) src(%dma_wait3A_84 : memref<112x128xf32, #tpu.memory_space<hbm>>) dst(%arg11 : memref<112x128xf32, #tpu.memory_space<vmem>>)
      %dma_wait3A_85 = tpu.memref_slice %arg4[%multiple_of3A_76] : memref<100352xi32, #tpu.memory_space<hbm>> -> memref<112xi32, #tpu.memory_space<hbm>>
      %dma_wait3A_86 = tpu.memref_slice %arg4[%multiple_of3A_76] : memref<100352xi32, #tpu.memory_space<hbm>> -> memref<112xi32, #tpu.memory_space<hbm>>
      tpu.wait_dma2 semaphore(%arg17 : memref<!tpu.dma_semaphore, #tpu.memory_space<semaphore_mem>>) src(%dma_wait3A_86 : memref<112xi32, #tpu.memory_space<hbm>>) dst(%arg13 : memref<112xi32, #tpu.memory_space<vmem>>)
      %dma_wait3A_87 = tpu.memref_slice %arg5[%multiple_of3A_76] : memref<100352xi32, #tpu.memory_space<hbm>> -> memref<112xi32, #tpu.memory_space<hbm>>
      %dma_wait3A_88 = tpu.memref_slice %arg5[%multiple_of3A_76] : memref<100352xi32, #tpu.memory_space<hbm>> -> memref<112xi32, #tpu.memory_space<hbm>>
      tpu.wait_dma2 semaphore(%arg17 : memref<!tpu.dma_semaphore, #tpu.memory_space<semaphore_mem>>) src(%dma_wait3A_88 : memref<112xi32, #tpu.memory_space<hbm>>) dst(%arg15 : memref<112xi32, #tpu.memory_space<vmem>>)
      %ge3A = arith.constant 1 : i32
      %ge3A_89 = arith.cmpi sge, %add3A_67, %ge3A : i32
      %convert_element_type3A = arith.extui %ge3A_89 : i1 to i32
      %cond3A = arith.constant 0 : i32
      %cond3A_90 = arith.cmpi ne, %convert_element_type3A, %cond3A : i32
      scf.if %cond3A_90 {
        %dma_wait3A_179 = arith.constant 0 : i32
        %dma_wait3A_180 = arith.constant 0 : i32
        %dma_wait3A_181 = tpu.memref_slice %arg8[%dma_wait3A_179, %dma_wait3A_180] : memref<5248x128xf32, #tpu.memory_space<vmem_shared>> -> memref<5248x128xf32, #tpu.memory_space<vmem_shared>>
        tpu.wait_indirect_dma semaphore(%arg20 : memref<!tpu.dma_semaphore, #tpu.memory_space<semaphore_mem>>) src(%arg10 : memref<112x128xf32, #tpu.memory_space<vmem>>) dst(%dma_wait3A_181 : memref<5248x128xf32, #tpu.memory_space<vmem_shared>>)
        %dma_wait3A_182 = arith.constant 0 : i32
        %dma_wait3A_183 = arith.constant 0 : i32
        %dma_wait3A_184 = tpu.memref_slice %arg8[%dma_wait3A_182, %dma_wait3A_183] : memref<5248x128xf32, #tpu.memory_space<vmem_shared>> -> memref<5248x128xf32, #tpu.memory_space<vmem_shared>>
        tpu.wait_indirect_dma semaphore(%arg20 : memref<!tpu.dma_semaphore, #tpu.memory_space<semaphore_mem>>) src(%arg12 : memref<112x128xf32, #tpu.memory_space<vmem>>) dst(%dma_wait3A_184 : memref<5248x128xf32, #tpu.memory_space<vmem_shared>>)
      } else {
      }
      %add3A_91 = arith.constant 1 : i32
      %add3A_92 = arith.addi %add3A_67, %add3A_91 : i32
      %min3A_93 = arith.constant 13 : i32
      %min3A_94 = arith.minsi %add3A_92, %min3A_93 : i32
      %mul3A_95 = arith.constant 112 : i32
      %mul3A_96 = arith.muli %min3A_94, %mul3A_95 : i32
      %add3A_97 = arith.addi %mul3A_6, %mul3A_96 : i32
      %multiple_of3A_98 = tpu.assume_multiple %add3A_97, 8 : i32
      %add3A_99 = arith.constant 50176 : i32
      %add3A_100 = arith.addi %add3A_99, %multiple_of3A_98 : i32
      %multiple_of3A_101 = tpu.assume_multiple %add3A_100, 8 : i32
      %dma_start3A_102 = arith.constant 0 : i32
      %dma_start3A_103 = tpu.memref_slice %arg2[%multiple_of3A_98, %dma_start3A_102] : memref<50176x128xf32, #tpu.memory_space<hbm>> -> memref<112x128xf32, #tpu.memory_space<hbm>>
      %dma_start3A_104 = arith.constant 0 : i32
      %dma_start3A_105 = tpu.memref_slice %arg2[%multiple_of3A_98, %dma_start3A_104] : memref<50176x128xf32, #tpu.memory_space<hbm>> -> memref<112x128xf32, #tpu.memory_space<hbm>>
      tpu.enqueue_dma source(%dma_start3A_105 : memref<112x128xf32, #tpu.memory_space<hbm>>) target(%arg10 : memref<112x128xf32, #tpu.memory_space<vmem>>) target_semaphore(%arg18 : memref<!tpu.dma_semaphore, #tpu.memory_space<semaphore_mem>>)
      %dma_start3A_106 = arith.constant 0 : i32
      %dma_start3A_107 = tpu.memref_slice %arg3[%multiple_of3A_98, %dma_start3A_106] : memref<50176x128xf32, #tpu.memory_space<hbm>> -> memref<112x128xf32, #tpu.memory_space<hbm>>
      %dma_start3A_108 = arith.constant 0 : i32
      %dma_start3A_109 = tpu.memref_slice %arg3[%multiple_of3A_98, %dma_start3A_108] : memref<50176x128xf32, #tpu.memory_space<hbm>> -> memref<112x128xf32, #tpu.memory_space<hbm>>
      tpu.enqueue_dma source(%dma_start3A_109 : memref<112x128xf32, #tpu.memory_space<hbm>>) target(%arg12 : memref<112x128xf32, #tpu.memory_space<vmem>>) target_semaphore(%arg18 : memref<!tpu.dma_semaphore, #tpu.memory_space<semaphore_mem>>)
      %dma_start3A_110 = tpu.memref_slice %arg4[%multiple_of3A_101] : memref<100352xi32, #tpu.memory_space<hbm>> -> memref<112xi32, #tpu.memory_space<hbm>>
      %dma_start3A_111 = tpu.memref_slice %arg4[%multiple_of3A_101] : memref<100352xi32, #tpu.memory_space<hbm>> -> memref<112xi32, #tpu.memory_space<hbm>>
      tpu.enqueue_dma source(%dma_start3A_111 : memref<112xi32, #tpu.memory_space<hbm>>) target(%arg14 : memref<112xi32, #tpu.memory_space<vmem>>) target_semaphore(%arg18 : memref<!tpu.dma_semaphore, #tpu.memory_space<semaphore_mem>>)
      %dma_start3A_112 = tpu.memref_slice %arg5[%multiple_of3A_101] : memref<100352xi32, #tpu.memory_space<hbm>> -> memref<112xi32, #tpu.memory_space<hbm>>
      %dma_start3A_113 = tpu.memref_slice %arg5[%multiple_of3A_101] : memref<100352xi32, #tpu.memory_space<hbm>> -> memref<112xi32, #tpu.memory_space<hbm>>
      tpu.enqueue_dma source(%dma_start3A_113 : memref<112xi32, #tpu.memory_space<hbm>>) target(%arg16 : memref<112xi32, #tpu.memory_space<vmem>>) target_semaphore(%arg18 : memref<!tpu.dma_semaphore, #tpu.memory_space<semaphore_mem>>)
      %dma_start3A_114 = arith.constant 0 : i32
      %dma_start3A_115 = arith.constant 0 : i32
      %dma_start3A_116 = tpu.memref_slice %arg8[%dma_start3A_114, %dma_start3A_115] : memref<5248x128xf32, #tpu.memory_space<vmem_shared>> -> memref<5248x128xf32, #tpu.memory_space<vmem_shared>>
      tpu.enqueue_indirect_dma source(%arg9 : memref<112x128xf32, #tpu.memory_space<vmem>>) target(%dma_start3A_116 : memref<5248x128xf32, #tpu.memory_space<vmem_shared>>) offsets(%arg13 : memref<112xi32, #tpu.memory_space<vmem>>) semaphore(%arg19 : memref<!tpu.dma_semaphore, #tpu.memory_space<semaphore_mem>>) {add = true}
      %dma_start3A_117 = arith.constant 0 : i32
      %dma_start3A_118 = arith.constant 0 : i32
      %dma_start3A_119 = tpu.memref_slice %arg8[%dma_start3A_117, %dma_start3A_118] : memref<5248x128xf32, #tpu.memory_space<vmem_shared>> -> memref<5248x128xf32, #tpu.memory_space<vmem_shared>>
      tpu.enqueue_indirect_dma source(%arg11 : memref<112x128xf32, #tpu.memory_space<vmem>>) target(%dma_start3A_119 : memref<5248x128xf32, #tpu.memory_space<vmem_shared>>) offsets(%arg15 : memref<112xi32, #tpu.memory_space<vmem>>) semaphore(%arg19 : memref<!tpu.dma_semaphore, #tpu.memory_space<semaphore_mem>>) {add = true}
      %mul3A_120 = arith.constant 2 : i32
      %mul3A_121 = arith.muli %mul3A_120, %scan3A_63 : i32
      %add3A_122 = arith.constant 1 : i32
      %add3A_123 = arith.addi %mul3A_121, %add3A_122 : i32
      %min3A_124 = arith.constant 13 : i32
      %min3A_125 = arith.minsi %add3A_123, %min3A_124 : i32
      %mul3A_126 = arith.constant 112 : i32
      %mul3A_127 = arith.muli %min3A_125, %mul3A_126 : i32
      %add3A_128 = arith.addi %mul3A_6, %mul3A_127 : i32
      %multiple_of3A_129 = tpu.assume_multiple %add3A_128, 8 : i32
      %add3A_130 = arith.constant 50176 : i32
      %add3A_131 = arith.addi %add3A_130, %multiple_of3A_129 : i32
      %multiple_of3A_132 = tpu.assume_multiple %add3A_131, 8 : i32
      %dma_wait3A_133 = arith.constant 0 : i32
      %dma_wait3A_134 = tpu.memref_slice %arg2[%multiple_of3A_129, %dma_wait3A_133] : memref<50176x128xf32, #tpu.memory_space<hbm>> -> memref<112x128xf32, #tpu.memory_space<hbm>>
      %dma_wait3A_135 = arith.constant 0 : i32
      %dma_wait3A_136 = tpu.memref_slice %arg2[%multiple_of3A_129, %dma_wait3A_135] : memref<50176x128xf32, #tpu.memory_space<hbm>> -> memref<112x128xf32, #tpu.memory_space<hbm>>
      tpu.wait_dma2 semaphore(%arg18 : memref<!tpu.dma_semaphore, #tpu.memory_space<semaphore_mem>>) src(%dma_wait3A_136 : memref<112x128xf32, #tpu.memory_space<hbm>>) dst(%arg10 : memref<112x128xf32, #tpu.memory_space<vmem>>)
      %dma_wait3A_137 = arith.constant 0 : i32
      %dma_wait3A_138 = tpu.memref_slice %arg3[%multiple_of3A_129, %dma_wait3A_137] : memref<50176x128xf32, #tpu.memory_space<hbm>> -> memref<112x128xf32, #tpu.memory_space<hbm>>
      %dma_wait3A_139 = arith.constant 0 : i32
      %dma_wait3A_140 = tpu.memref_slice %arg3[%multiple_of3A_129, %dma_wait3A_139] : memref<50176x128xf32, #tpu.memory_space<hbm>> -> memref<112x128xf32, #tpu.memory_space<hbm>>
      tpu.wait_dma2 semaphore(%arg18 : memref<!tpu.dma_semaphore, #tpu.memory_space<semaphore_mem>>) src(%dma_wait3A_140 : memref<112x128xf32, #tpu.memory_space<hbm>>) dst(%arg12 : memref<112x128xf32, #tpu.memory_space<vmem>>)
      %dma_wait3A_141 = tpu.memref_slice %arg4[%multiple_of3A_132] : memref<100352xi32, #tpu.memory_space<hbm>> -> memref<112xi32, #tpu.memory_space<hbm>>
      %dma_wait3A_142 = tpu.memref_slice %arg4[%multiple_of3A_132] : memref<100352xi32, #tpu.memory_space<hbm>> -> memref<112xi32, #tpu.memory_space<hbm>>
      tpu.wait_dma2 semaphore(%arg18 : memref<!tpu.dma_semaphore, #tpu.memory_space<semaphore_mem>>) src(%dma_wait3A_142 : memref<112xi32, #tpu.memory_space<hbm>>) dst(%arg14 : memref<112xi32, #tpu.memory_space<vmem>>)
      %dma_wait3A_143 = tpu.memref_slice %arg5[%multiple_of3A_132] : memref<100352xi32, #tpu.memory_space<hbm>> -> memref<112xi32, #tpu.memory_space<hbm>>
      %dma_wait3A_144 = tpu.memref_slice %arg5[%multiple_of3A_132] : memref<100352xi32, #tpu.memory_space<hbm>> -> memref<112xi32, #tpu.memory_space<hbm>>
      tpu.wait_dma2 semaphore(%arg18 : memref<!tpu.dma_semaphore, #tpu.memory_space<semaphore_mem>>) src(%dma_wait3A_144 : memref<112xi32, #tpu.memory_space<hbm>>) dst(%arg16 : memref<112xi32, #tpu.memory_space<vmem>>)
      %ge3A_145 = arith.constant 1 : i32
      %ge3A_146 = arith.cmpi sge, %add3A_123, %ge3A_145 : i32
      %convert_element_type3A_147 = arith.extui %ge3A_146 : i1 to i32
      %cond3A_148 = arith.constant 0 : i32
      %cond3A_149 = arith.cmpi ne, %convert_element_type3A_147, %cond3A_148 : i32
      scf.if %cond3A_149 {
        %dma_wait3A_179 = arith.constant 0 : i32
        %dma_wait3A_180 = arith.constant 0 : i32
        %dma_wait3A_181 = tpu.memref_slice %arg8[%dma_wait3A_179, %dma_wait3A_180] : memref<5248x128xf32, #tpu.memory_space<vmem_shared>> -> memref<5248x128xf32, #tpu.memory_space<vmem_shared>>
        tpu.wait_indirect_dma semaphore(%arg19 : memref<!tpu.dma_semaphore, #tpu.memory_space<semaphore_mem>>) src(%arg9 : memref<112x128xf32, #tpu.memory_space<vmem>>) dst(%dma_wait3A_181 : memref<5248x128xf32, #tpu.memory_space<vmem_shared>>)
        %dma_wait3A_182 = arith.constant 0 : i32
        %dma_wait3A_183 = arith.constant 0 : i32
        %dma_wait3A_184 = tpu.memref_slice %arg8[%dma_wait3A_182, %dma_wait3A_183] : memref<5248x128xf32, #tpu.memory_space<vmem_shared>> -> memref<5248x128xf32, #tpu.memory_space<vmem_shared>>
        tpu.wait_indirect_dma semaphore(%arg19 : memref<!tpu.dma_semaphore, #tpu.memory_space<semaphore_mem>>) src(%arg11 : memref<112x128xf32, #tpu.memory_space<vmem>>) dst(%dma_wait3A_184 : memref<5248x128xf32, #tpu.memory_space<vmem_shared>>)
      } else {
      }
      %add3A_150 = arith.constant 1 : i32
      %add3A_151 = arith.addi %add3A_123, %add3A_150 : i32
      %min3A_152 = arith.constant 13 : i32
      %min3A_153 = arith.minsi %add3A_151, %min3A_152 : i32
      %mul3A_154 = arith.constant 112 : i32
      %mul3A_155 = arith.muli %min3A_153, %mul3A_154 : i32
      %add3A_156 = arith.addi %mul3A_6, %mul3A_155 : i32
      %multiple_of3A_157 = tpu.assume_multiple %add3A_156, 8 : i32
      %add3A_158 = arith.constant 50176 : i32
      %add3A_159 = arith.addi %add3A_158, %multiple_of3A_157 : i32
      %multiple_of3A_160 = tpu.assume_multiple %add3A_159, 8 : i32
      %dma_start3A_161 = arith.constant 0 : i32
      %dma_start3A_162 = tpu.memref_slice %arg2[%multiple_of3A_157, %dma_start3A_161] : memref<50176x128xf32, #tpu.memory_space<hbm>> -> memref<112x128xf32, #tpu.memory_space<hbm>>
      %dma_start3A_163 = arith.constant 0 : i32
      %dma_start3A_164 = tpu.memref_slice %arg2[%multiple_of3A_157, %dma_start3A_163] : memref<50176x128xf32, #tpu.memory_space<hbm>> -> memref<112x128xf32, #tpu.memory_space<hbm>>
      tpu.enqueue_dma source(%dma_start3A_164 : memref<112x128xf32, #tpu.memory_space<hbm>>) target(%arg9 : memref<112x128xf32, #tpu.memory_space<vmem>>) target_semaphore(%arg17 : memref<!tpu.dma_semaphore, #tpu.memory_space<semaphore_mem>>)
      %dma_start3A_165 = arith.constant 0 : i32
      %dma_start3A_166 = tpu.memref_slice %arg3[%multiple_of3A_157, %dma_start3A_165] : memref<50176x128xf32, #tpu.memory_space<hbm>> -> memref<112x128xf32, #tpu.memory_space<hbm>>
      %dma_start3A_167 = arith.constant 0 : i32
      %dma_start3A_168 = tpu.memref_slice %arg3[%multiple_of3A_157, %dma_start3A_167] : memref<50176x128xf32, #tpu.memory_space<hbm>> -> memref<112x128xf32, #tpu.memory_space<hbm>>
      tpu.enqueue_dma source(%dma_start3A_168 : memref<112x128xf32, #tpu.memory_space<hbm>>) target(%arg11 : memref<112x128xf32, #tpu.memory_space<vmem>>) target_semaphore(%arg17 : memref<!tpu.dma_semaphore, #tpu.memory_space<semaphore_mem>>)
      %dma_start3A_169 = tpu.memref_slice %arg4[%multiple_of3A_160] : memref<100352xi32, #tpu.memory_space<hbm>> -> memref<112xi32, #tpu.memory_space<hbm>>
      %dma_start3A_170 = tpu.memref_slice %arg4[%multiple_of3A_160] : memref<100352xi32, #tpu.memory_space<hbm>> -> memref<112xi32, #tpu.memory_space<hbm>>
      tpu.enqueue_dma source(%dma_start3A_170 : memref<112xi32, #tpu.memory_space<hbm>>) target(%arg13 : memref<112xi32, #tpu.memory_space<vmem>>) target_semaphore(%arg17 : memref<!tpu.dma_semaphore, #tpu.memory_space<semaphore_mem>>)
      %dma_start3A_171 = tpu.memref_slice %arg5[%multiple_of3A_160] : memref<100352xi32, #tpu.memory_space<hbm>> -> memref<112xi32, #tpu.memory_space<hbm>>
      %dma_start3A_172 = tpu.memref_slice %arg5[%multiple_of3A_160] : memref<100352xi32, #tpu.memory_space<hbm>> -> memref<112xi32, #tpu.memory_space<hbm>>
      tpu.enqueue_dma source(%dma_start3A_172 : memref<112xi32, #tpu.memory_space<hbm>>) target(%arg15 : memref<112xi32, #tpu.memory_space<vmem>>) target_semaphore(%arg17 : memref<!tpu.dma_semaphore, #tpu.memory_space<semaphore_mem>>)
      %dma_start3A_173 = arith.constant 0 : i32
      %dma_start3A_174 = arith.constant 0 : i32
      %dma_start3A_175 = tpu.memref_slice %arg8[%dma_start3A_173, %dma_start3A_174] : memref<5248x128xf32, #tpu.memory_space<vmem_shared>> -> memref<5248x128xf32, #tpu.memory_space<vmem_shared>>
      tpu.enqueue_indirect_dma source(%arg10 : memref<112x128xf32, #tpu.memory_space<vmem>>) target(%dma_start3A_175 : memref<5248x128xf32, #tpu.memory_space<vmem_shared>>) offsets(%arg14 : memref<112xi32, #tpu.memory_space<vmem>>) semaphore(%arg20 : memref<!tpu.dma_semaphore, #tpu.memory_space<semaphore_mem>>) {add = true}
      %dma_start3A_176 = arith.constant 0 : i32
      %dma_start3A_177 = arith.constant 0 : i32
      %dma_start3A_178 = tpu.memref_slice %arg8[%dma_start3A_176, %dma_start3A_177] : memref<5248x128xf32, #tpu.memory_space<vmem_shared>> -> memref<5248x128xf32, #tpu.memory_space<vmem_shared>>
      tpu.enqueue_indirect_dma source(%arg12 : memref<112x128xf32, #tpu.memory_space<vmem>>) target(%dma_start3A_178 : memref<5248x128xf32, #tpu.memory_space<vmem_shared>>) offsets(%arg16 : memref<112xi32, #tpu.memory_space<vmem>>) semaphore(%arg20 : memref<!tpu.dma_semaphore, #tpu.memory_space<semaphore_mem>>) {add = true}
    }
    %scan3A_30 = arith.constant 7 : i32
    %min3A_31 = arith.constant 14 : i32
    %min3A_32 = arith.constant 13 : i32
    %min3A_33 = arith.minsi %min3A_31, %min3A_32 : i32
    %mul3A_34 = arith.constant 112 : i32
    %mul3A_35 = arith.muli %min3A_33, %mul3A_34 : i32
    %add3A_36 = arith.addi %mul3A_6, %mul3A_35 : i32
    %multiple_of3A_37 = tpu.assume_multiple %add3A_36, 8 : i32
    %add3A_38 = arith.constant 50176 : i32
    %add3A_39 = arith.addi %add3A_38, %multiple_of3A_37 : i32
    %multiple_of3A_40 = tpu.assume_multiple %add3A_39, 8 : i32
    %dma_wait3A = arith.constant 0 : i32
    %dma_wait3A_41 = tpu.memref_slice %arg2[%multiple_of3A_37, %dma_wait3A] : memref<50176x128xf32, #tpu.memory_space<hbm>> -> memref<112x128xf32, #tpu.memory_space<hbm>>
    %dma_wait3A_42 = arith.constant 0 : i32
    %dma_wait3A_43 = tpu.memref_slice %arg2[%multiple_of3A_37, %dma_wait3A_42] : memref<50176x128xf32, #tpu.memory_space<hbm>> -> memref<112x128xf32, #tpu.memory_space<hbm>>
    tpu.wait_dma2 semaphore(%arg17 : memref<!tpu.dma_semaphore, #tpu.memory_space<semaphore_mem>>) src(%dma_wait3A_43 : memref<112x128xf32, #tpu.memory_space<hbm>>) dst(%arg9 : memref<112x128xf32, #tpu.memory_space<vmem>>)
    %dma_wait3A_44 = arith.constant 0 : i32
    %dma_wait3A_45 = tpu.memref_slice %arg3[%multiple_of3A_37, %dma_wait3A_44] : memref<50176x128xf32, #tpu.memory_space<hbm>> -> memref<112x128xf32, #tpu.memory_space<hbm>>
    %dma_wait3A_46 = arith.constant 0 : i32
    %dma_wait3A_47 = tpu.memref_slice %arg3[%multiple_of3A_37, %dma_wait3A_46] : memref<50176x128xf32, #tpu.memory_space<hbm>> -> memref<112x128xf32, #tpu.memory_space<hbm>>
    tpu.wait_dma2 semaphore(%arg17 : memref<!tpu.dma_semaphore, #tpu.memory_space<semaphore_mem>>) src(%dma_wait3A_47 : memref<112x128xf32, #tpu.memory_space<hbm>>) dst(%arg11 : memref<112x128xf32, #tpu.memory_space<vmem>>)
    %dma_wait3A_48 = tpu.memref_slice %arg4[%multiple_of3A_40] : memref<100352xi32, #tpu.memory_space<hbm>> -> memref<112xi32, #tpu.memory_space<hbm>>
    %dma_wait3A_49 = tpu.memref_slice %arg4[%multiple_of3A_40] : memref<100352xi32, #tpu.memory_space<hbm>> -> memref<112xi32, #tpu.memory_space<hbm>>
    tpu.wait_dma2 semaphore(%arg17 : memref<!tpu.dma_semaphore, #tpu.memory_space<semaphore_mem>>) src(%dma_wait3A_49 : memref<112xi32, #tpu.memory_space<hbm>>) dst(%arg13 : memref<112xi32, #tpu.memory_space<vmem>>)
    %dma_wait3A_50 = tpu.memref_slice %arg5[%multiple_of3A_40] : memref<100352xi32, #tpu.memory_space<hbm>> -> memref<112xi32, #tpu.memory_space<hbm>>
    %dma_wait3A_51 = tpu.memref_slice %arg5[%multiple_of3A_40] : memref<100352xi32, #tpu.memory_space<hbm>> -> memref<112xi32, #tpu.memory_space<hbm>>
    tpu.wait_dma2 semaphore(%arg17 : memref<!tpu.dma_semaphore, #tpu.memory_space<semaphore_mem>>) src(%dma_wait3A_51 : memref<112xi32, #tpu.memory_space<hbm>>) dst(%arg15 : memref<112xi32, #tpu.memory_space<vmem>>)
    %dma_wait3A_52 = arith.constant 0 : i32
    %dma_wait3A_53 = arith.constant 0 : i32
    %dma_wait3A_54 = tpu.memref_slice %arg8[%dma_wait3A_52, %dma_wait3A_53] : memref<5248x128xf32, #tpu.memory_space<vmem_shared>> -> memref<5248x128xf32, #tpu.memory_space<vmem_shared>>
    tpu.wait_indirect_dma semaphore(%arg20 : memref<!tpu.dma_semaphore, #tpu.memory_space<semaphore_mem>>) src(%arg10 : memref<112x128xf32, #tpu.memory_space<vmem>>) dst(%dma_wait3A_54 : memref<5248x128xf32, #tpu.memory_space<vmem_shared>>)
    %dma_wait3A_55 = arith.constant 0 : i32
    %dma_wait3A_56 = arith.constant 0 : i32
    %dma_wait3A_57 = tpu.memref_slice %arg8[%dma_wait3A_55, %dma_wait3A_56] : memref<5248x128xf32, #tpu.memory_space<vmem_shared>> -> memref<5248x128xf32, #tpu.memory_space<vmem_shared>>
    tpu.wait_indirect_dma semaphore(%arg20 : memref<!tpu.dma_semaphore, #tpu.memory_space<semaphore_mem>>) src(%arg12 : memref<112x128xf32, #tpu.memory_space<vmem>>) dst(%dma_wait3A_57 : memref<5248x128xf32, #tpu.memory_space<vmem_shared>>)
    %barrier3A_58 = arith.constant 0 : index
    tpu.barrier barrier_id(%barrier3A_58)
    %mul3A_59 = arith.constant 328 : i32
    %mul3A_60 = arith.muli %arg1, %mul3A_59 : i32
    %mul3A_61 = arith.constant 328 : i32
    %mul3A_62 = arith.muli %arg1, %mul3A_61 : i32
    "tpu.region"() ({
      %run_scoped3A = tpu.sem_alloc : memref<!tpu.dma_semaphore, #tpu.memory_space<semaphore_mem>>
      %dma_start3A_63 = arith.constant 0 : i32
      %dma_start3A_64 = tpu.memref_slice %arg7[%arg0, %mul3A_62, %dma_start3A_63] : memref<2x5248x128xf32, #tpu.memory_space<hbm>> -> memref<1x328x128xf32, #tpu.memory_space<hbm>>
      %dma_start3A_65 = tpu.memref_squeeze %dma_start3A_64 : memref<1x328x128xf32, #tpu.memory_space<hbm>> -> memref<328x128xf32, #tpu.memory_space<hbm>>
      %dma_start3A_66 = arith.constant 0 : i32
      %dma_start3A_67 = tpu.memref_slice %arg8[%mul3A_60, %dma_start3A_66] : memref<5248x128xf32, #tpu.memory_space<vmem_shared>> -> memref<328x128xf32, #tpu.memory_space<vmem_shared>>
      tpu.enqueue_dma source(%dma_start3A_67 : memref<328x128xf32, #tpu.memory_space<vmem_shared>>) target(%dma_start3A_65 : memref<328x128xf32, #tpu.memory_space<hbm>>) target_semaphore(%run_scoped3A : memref<!tpu.dma_semaphore, #tpu.memory_space<semaphore_mem>>)
      %dma_wait3A_68 = arith.constant 0 : i32
      %dma_wait3A_69 = tpu.memref_slice %arg7[%arg0, %mul3A_62, %dma_wait3A_68] : memref<2x5248x128xf32, #tpu.memory_space<hbm>> -> memref<1x328x128xf32, #tpu.memory_space<hbm>>
      %dma_wait3A_70 = tpu.memref_squeeze %dma_wait3A_69 : memref<1x328x128xf32, #tpu.memory_space<hbm>> -> memref<328x128xf32, #tpu.memory_space<hbm>>
      %dma_wait3A_71 = arith.constant 0 : i32
      %dma_wait3A_72 = tpu.memref_slice %arg8[%mul3A_60, %dma_wait3A_71] : memref<5248x128xf32, #tpu.memory_space<vmem_shared>> -> memref<328x128xf32, #tpu.memory_space<vmem_shared>>
      tpu.wait_dma2 semaphore(%run_scoped3A : memref<!tpu.dma_semaphore, #tpu.memory_space<semaphore_mem>>) src(%dma_wait3A_72 : memref<328x128xf32, #tpu.memory_space<vmem_shared>>) dst(%dma_wait3A_70 : memref<328x128xf32, #tpu.memory_space<hbm>>)
      tpu.yield
    }) : () -> ()
    return
  }
}

module attributes {stable_mosaic.version = 14 : i64} {
  func.func @_mlp_body(%arg0: i32, %arg1: memref<2x512x128xf32, #tpu.memory_space<vmem>>, %arg2: memref<2x512x128xf32, #tpu.memory_space<vmem>>, %arg3: memref<128x256xf32, #tpu.memory_space<vmem>>, %arg4: memref<1x256xf32, #tpu.memory_space<vmem>>, %arg5: memref<256x256xf32, #tpu.memory_space<vmem>>, %arg6: memref<1x256xf32, #tpu.memory_space<vmem>>, %arg7: memref<256x128xf32, #tpu.memory_space<vmem>>, %arg8: memref<1x128xf32, #tpu.memory_space<vmem>>, %arg9: memref<512x128xf32, #tpu.memory_space<vmem>>, %arg10: memref<512x128xf32, #tpu.memory_space<vmem>>) attributes {dimension_semantics = [#tpu.dimension_semantics<arbitrary>], iteration_bounds = array<i64: 10>, scalar_prefetch = 0 : i64, scratch_operands = 0 : i64, tpu.core_type = #tpu.core_type<tc>, window_params = [{transform_indices = @transform_0, window_bounds = array<i64: 2, 512, 128>}, {transform_indices = @transform_1, window_bounds = array<i64: 2, 512, 128>}, {pipeline_mode = #tpu.pipeline_mode<synchronous>, transform_indices = @transform_2, window_bounds = array<i64: 128, 256>}, {pipeline_mode = #tpu.pipeline_mode<synchronous>, transform_indices = @transform_3, window_bounds = array<i64: 1, 256>}, {pipeline_mode = #tpu.pipeline_mode<synchronous>, transform_indices = @transform_4, window_bounds = array<i64: 256, 256>}, {pipeline_mode = #tpu.pipeline_mode<synchronous>, transform_indices = @transform_5, window_bounds = array<i64: 1, 256>}, {pipeline_mode = #tpu.pipeline_mode<synchronous>, transform_indices = @transform_6, window_bounds = array<i64: 256, 128>}, {pipeline_mode = #tpu.pipeline_mode<synchronous>, transform_indices = @transform_7, window_bounds = array<i64: 1, 128>}, {transform_indices = @transform_8, window_bounds = array<i64: 512, 128>}, {transform_indices = @transform_9, window_bounds = array<i64: 512, 128>}]} {
    %get3A = arith.constant 0 : index
    %get3A_0 = arith.constant 0 : index
    %get3A_1 = arith.constant 0 : index
    %get3A_2 = vector.load %arg1[%get3A, %get3A_0, %get3A_1] : memref<2x512x128xf32, #tpu.memory_space<vmem>>, vector<1x512x128xf32>
    %get3A_3 = vector.shape_cast %get3A_2 : vector<1x512x128xf32> to vector<512x128xf32>
    %get3A_4 = arith.constant 1 : index
    %get3A_5 = arith.constant 0 : index
    %get3A_6 = arith.constant 0 : index
    %get3A_7 = vector.load %arg1[%get3A_4, %get3A_5, %get3A_6] : memref<2x512x128xf32, #tpu.memory_space<vmem>>, vector<1x512x128xf32>
    %get3A_8 = vector.shape_cast %get3A_7 : vector<1x512x128xf32> to vector<512x128xf32>
    %add3A = arith.addf %get3A_3, %get3A_8 : vector<512x128xf32>
    %get3A_9 = arith.constant 0 : index
    %get3A_10 = arith.constant 0 : index
    %get3A_11 = arith.constant 0 : index
    %get3A_12 = vector.load %arg2[%get3A_9, %get3A_10, %get3A_11] : memref<2x512x128xf32, #tpu.memory_space<vmem>>, vector<1x512x128xf32>
    %get3A_13 = vector.shape_cast %get3A_12 : vector<1x512x128xf32> to vector<512x128xf32>
    %get3A_14 = arith.constant 1 : index
    %get3A_15 = arith.constant 0 : index
    %get3A_16 = arith.constant 0 : index
    %get3A_17 = vector.load %arg2[%get3A_14, %get3A_15, %get3A_16] : memref<2x512x128xf32, #tpu.memory_space<vmem>>, vector<1x512x128xf32>
    %get3A_18 = vector.shape_cast %get3A_17 : vector<1x512x128xf32> to vector<512x128xf32>
    %add3A_19 = arith.addf %get3A_13, %get3A_18 : vector<512x128xf32>
    %add3A_20 = arith.addf %add3A, %add3A_19 : vector<512x128xf32>
    %swap3A = arith.constant 0 : index
    %swap3A_21 = arith.constant 0 : index
    %swap3A_22 = vector.load %arg9[%swap3A, %swap3A_21] : memref<512x128xf32, #tpu.memory_space<vmem>>, vector<512x128xf32>
    tpu.vector_store %arg9[%swap3A, %swap3A_21], %add3A_20 {strides = array<i32>} : memref<512x128xf32, #tpu.memory_space<vmem>>, vector<512x128xf32>,
    %get3A_23 = arith.constant 0 : index
    %get3A_24 = arith.constant 0 : index
    %get3A_25 = vector.load %arg3[%get3A_23, %get3A_24] : memref<128x256xf32, #tpu.memory_space<vmem>>, vector<128x256xf32>
    %dot_general3A = arith.constant dense<0.000000e+00> : vector<512x256xf32>
    %dot_general3A_26 = tpu.matmul %add3A_20, %get3A_25, %dot_general3A {dimension_numbers = #tpu.dot_dimension_numbers<[1], [0], [0], [1], [0, 0, 1, 1], [], []>, transpose_lhs_hint = false} : vector<512x128xf32>, vector<128x256xf32>, vector<512x256xf32> -> vector<512x256xf32>
    %get3A_27 = arith.constant 0 : index
    %get3A_28 = arith.constant 0 : index
    %get3A_29 = vector.load %arg4[%get3A_27, %get3A_28] : memref<1x256xf32, #tpu.memory_space<vmem>>, vector<1x256xf32>
    %add3A_30 = vector.broadcast %get3A_29 : vector<1x256xf32> to vector<512x256xf32>
    %add3A_31 = arith.addf %dot_general3A_26, %add3A_30 : vector<512x256xf32>
    %get3A_32 = arith.constant 0 : index
    %get3A_33 = arith.constant 0 : index
    %get3A_34 = vector.load %arg5[%get3A_32, %get3A_33] : memref<256x256xf32, #tpu.memory_space<vmem>>, vector<256x256xf32>
    %dot_general3A_35 = arith.constant dense<0.000000e+00> : vector<512x256xf32>
    %dot_general3A_36 = tpu.matmul %add3A_31, %get3A_34, %dot_general3A_35 {dimension_numbers = #tpu.dot_dimension_numbers<[1], [0], [0], [1], [0, 0, 1, 1], [], []>, transpose_lhs_hint = false} : vector<512x256xf32>, vector<256x256xf32>, vector<512x256xf32> -> vector<512x256xf32>
    %get3A_37 = arith.constant 0 : index
    %get3A_38 = arith.constant 0 : index
    %get3A_39 = vector.load %arg6[%get3A_37, %get3A_38] : memref<1x256xf32, #tpu.memory_space<vmem>>, vector<1x256xf32>
    %add3A_40 = vector.broadcast %get3A_39 : vector<1x256xf32> to vector<512x256xf32>
    %add3A_41 = arith.addf %dot_general3A_36, %add3A_40 : vector<512x256xf32>
    %max3A = arith.constant 0.000000e+00 : f32
    %max3A_42 = vector.broadcast %max3A : f32 to vector<512x256xf32>
    %max3A_43 = arith.maximumf %add3A_41, %max3A_42 : vector<512x256xf32>
    %get3A_44 = arith.constant 0 : index
    %get3A_45 = arith.constant 0 : index
    %get3A_46 = vector.load %arg7[%get3A_44, %get3A_45] : memref<256x128xf32, #tpu.memory_space<vmem>>, vector<256x128xf32>
    %dot_general3A_47 = arith.constant dense<0.000000e+00> : vector<512x128xf32>
    %dot_general3A_48 = tpu.matmul %max3A_43, %get3A_46, %dot_general3A_47 {dimension_numbers = #tpu.dot_dimension_numbers<[1], [0], [0], [1], [0, 0, 1, 1], [], []>, transpose_lhs_hint = false} : vector<512x256xf32>, vector<256x128xf32>, vector<512x128xf32> -> vector<512x128xf32>
    %get3A_49 = arith.constant 0 : index
    %get3A_50 = arith.constant 0 : index
    %get3A_51 = vector.load %arg8[%get3A_49, %get3A_50] : memref<1x128xf32, #tpu.memory_space<vmem>>, vector<1x128xf32>
    %add3A_52 = vector.broadcast %get3A_51 : vector<1x128xf32> to vector<512x128xf32>
    %add3A_53 = arith.addf %dot_general3A_48, %add3A_52 : vector<512x128xf32>
    %swap3A_54 = arith.constant 0 : index
    %swap3A_55 = arith.constant 0 : index
    %swap3A_56 = vector.load %arg10[%swap3A_54, %swap3A_55] : memref<512x128xf32, #tpu.memory_space<vmem>>, vector<512x128xf32>
    tpu.vector_store %arg10[%swap3A_54, %swap3A_55], %add3A_53 {strides = array<i32>} : memref<512x128xf32, #tpu.memory_space<vmem>>, vector<512x128xf32>,
    return
  }
  func.func @transform_0(%arg0: i32) -> (i32, i32, i32) {
    %c0_i32 = arith.constant 0 : i32
    %c0_i32_0 = arith.constant 0 : i32
    %c0_i32_1 = arith.constant 0 : i32
    return %c0_i32, %arg0, %c0_i32_0 : i32, i32, i32
  }
  func.func @transform_1(%arg0: i32) -> (i32, i32, i32) {
    %c0_i32 = arith.constant 0 : i32
    %c0_i32_0 = arith.constant 0 : i32
    %c0_i32_1 = arith.constant 0 : i32
    return %c0_i32, %arg0, %c0_i32_0 : i32, i32, i32
  }
  func.func @transform_2(%arg0: i32) -> (i32, i32) {
    %c0_i32 = arith.constant 0 : i32
    %c0_i32_0 = arith.constant 0 : i32
    %c0_i32_1 = arith.constant 0 : i32
    return %c0_i32, %c0_i32_0 : i32, i32
  }
  func.func @transform_3(%arg0: i32) -> (i32, i32) {
    %c0_i32 = arith.constant 0 : i32
    %c0_i32_0 = arith.constant 0 : i32
    %c0_i32_1 = arith.constant 0 : i32
    return %c0_i32, %c0_i32_0 : i32, i32
  }
  func.func @transform_4(%arg0: i32) -> (i32, i32) {
    %c0_i32 = arith.constant 0 : i32
    %c0_i32_0 = arith.constant 0 : i32
    %c0_i32_1 = arith.constant 0 : i32
    return %c0_i32, %c0_i32_0 : i32, i32
  }
  func.func @transform_5(%arg0: i32) -> (i32, i32) {
    %c0_i32 = arith.constant 0 : i32
    %c0_i32_0 = arith.constant 0 : i32
    %c0_i32_1 = arith.constant 0 : i32
    return %c0_i32, %c0_i32_0 : i32, i32
  }
  func.func @transform_6(%arg0: i32) -> (i32, i32) {
    %c0_i32 = arith.constant 0 : i32
    %c0_i32_0 = arith.constant 0 : i32
    %c0_i32_1 = arith.constant 0 : i32
    return %c0_i32, %c0_i32_0 : i32, i32
  }
  func.func @transform_7(%arg0: i32) -> (i32, i32) {
    %c0_i32 = arith.constant 0 : i32
    %c0_i32_0 = arith.constant 0 : i32
    %c0_i32_1 = arith.constant 0 : i32
    return %c0_i32, %c0_i32_0 : i32, i32
  }
  func.func @transform_8(%arg0: i32) -> (i32, i32) {
    %c0_i32 = arith.constant 0 : i32
    %c0_i32_0 = arith.constant 0 : i32
    return %arg0, %c0_i32 : i32, i32
  }
  func.func @transform_9(%arg0: i32) -> (i32, i32) {
    %c0_i32 = arith.constant 0 : i32
    %c0_i32_0 = arith.constant 0 : i32
    return %arg0, %c0_i32 : i32, i32
  }
}

module attributes {stable_mosaic.version = 14 : i64} {
  func.func @_gate_body(%arg0: i32, %arg1: memref<1792x128xf32, #tpu.memory_space<vmem>>, %arg2: memref<1x1x1792xf32, #tpu.memory_space<vmem>>, %arg3: memref<1x1x1792xf32, #tpu.memory_space<vmem>>, %arg4: memref<1x1x1792xi32, #tpu.memory_space<vmem>>, %arg5: memref<128x8xf32, #tpu.memory_space<vmem>>, %arg6: memref<1x1xf32, #tpu.memory_space<vmem>>, %arg7: memref<1792x128xf32, #tpu.memory_space<vmem>>, %arg8: memref<1792x128xf32, #tpu.memory_space<vmem>>) attributes {dimension_semantics = [#tpu.dimension_semantics<arbitrary>], iteration_bounds = array<i64: 28>, scalar_prefetch = 0 : i64, scratch_operands = 0 : i64, tpu.core_type = #tpu.core_type<tc>, window_params = [{transform_indices = @transform_0, window_bounds = array<i64: 1792, 128>}, {transform_indices = @transform_1, window_bounds = array<i64: 1, 1, 1792>}, {transform_indices = @transform_2, window_bounds = array<i64: 1, 1, 1792>}, {transform_indices = @transform_3, window_bounds = array<i64: 1, 1, 1792>}, {pipeline_mode = #tpu.pipeline_mode<synchronous>, transform_indices = @transform_4, window_bounds = array<i64: 128, 8>}, {pipeline_mode = #tpu.pipeline_mode<synchronous>, transform_indices = @transform_5, window_bounds = array<i64: 1, 1>}, {transform_indices = @transform_6, window_bounds = array<i64: 1792, 128>}, {transform_indices = @transform_7, window_bounds = array<i64: 1792, 128>}]} {
    %get3A = arith.constant 0 : index
    %get3A_0 = arith.constant 0 : index
    %get3A_1 = vector.load %arg1[%get3A, %get3A_0] : memref<1792x128xf32, #tpu.memory_space<vmem>>, vector<1792x128xf32>
    %get3A_2 = arith.constant 0 : index
    %get3A_3 = arith.constant 0 : index
    %get3A_4 = vector.load %arg5[%get3A_2, %get3A_3] : memref<128x8xf32, #tpu.memory_space<vmem>>, vector<128x8xf32>
    %dot_general3A = arith.constant dense<0.000000e+00> : vector<1792x8xf32>
    %dot_general3A_5 = tpu.matmul %get3A_1, %get3A_4, %dot_general3A {dimension_numbers = #tpu.dot_dimension_numbers<[1], [0], [0], [1], [0, 0, 1, 1], [], []>, transpose_lhs_hint = false} : vector<1792x128xf32>, vector<128x8xf32>, vector<1792x8xf32> -> vector<1792x8xf32>
    %slice3A = vector.extract_strided_slice %dot_general3A_5 {offsets = [0, 0], sizes = [1792, 1], strides = [1, 1]} : vector<1792x8xf32> to vector<1792x1xf32>
    %get3A_6 = arith.constant 0 : index
    %get3A_7 = arith.constant 0 : index
    %get3A_8 = vector.load %arg6[%get3A_6, %get3A_7] : memref<1x1xf32, #tpu.memory_space<vmem>>, vector<1x1xf32>
    %get3A_9 = vector.extract %get3A_8[0, 0] : f32 from vector<1x1xf32>
    %add3A = vector.broadcast %get3A_9 : f32 to vector<1792x1xf32>
    %add3A_10 = arith.addf %slice3A, %add3A : vector<1792x1xf32>
    %logistic3A = arith.negf %add3A_10 : vector<1792x1xf32>
    %logistic3A_11 = math.exp %logistic3A : vector<1792x1xf32>
    %logistic3A_12 = arith.constant 1.000000e+00 : f32
    %logistic3A_13 = vector.broadcast %logistic3A_12 : f32 to vector<1792x1xf32>
    %logistic3A_14 = arith.addf %logistic3A_13, %logistic3A_11 : vector<1792x1xf32>
    %logistic3A_15 = arith.divf %logistic3A_13, %logistic3A_14 : vector<1792x1xf32>
    %get3A_16 = arith.constant 0 : index
    %get3A_17 = arith.constant 0 : index
    %get3A_18 = arith.constant 0 : index
    %get3A_19 = vector.load %arg2[%get3A_16, %get3A_17, %get3A_18] : memref<1x1x1792xf32, #tpu.memory_space<vmem>>, vector<1x1x1792xf32>
    %get3A_20 = vector.shape_cast %get3A_19 : vector<1x1x1792xf32> to vector<1792xf32>
    %get3A_21 = arith.constant 0 : index
    %get3A_22 = arith.constant 0 : index
    %get3A_23 = arith.constant 0 : index
    %get3A_24 = vector.load %arg3[%get3A_21, %get3A_22, %get3A_23] : memref<1x1x1792xf32, #tpu.memory_space<vmem>>, vector<1x1x1792xf32>
    %get3A_25 = vector.shape_cast %get3A_24 : vector<1x1x1792xf32> to vector<1792xf32>
    %get3A_26 = arith.constant 0 : index
    %get3A_27 = arith.constant 0 : index
    %get3A_28 = arith.constant 0 : index
    %get3A_29 = vector.load %arg4[%get3A_26, %get3A_27, %get3A_28] : memref<1x1x1792xi32, #tpu.memory_space<vmem>>, vector<1x1x1792xi32>
    %get3A_30 = vector.shape_cast %get3A_29 : vector<1x1x1792xi32> to vector<1792xi32>
    %add3A_31 = arith.constant 28 : i32
    %add3A_32 = arith.addi %arg0, %add3A_31 : i32
    %mul3A = arith.constant 1792 : i32
    %mul3A_33 = arith.muli %add3A_32, %mul3A : i32
    %iota3A = tpu.iota {dimensions = array<i32: 0>} : vector<1792x128xi32>
    %add3A_34 = vector.broadcast %mul3A_33 : i32 to vector<1792x128xi32>
    %add3A_35 = arith.addi %add3A_34, %iota3A : vector<1792x128xi32>
    %lt3A = arith.constant 100000 : i32
    %lt3A_36 = vector.broadcast %lt3A : i32 to vector<1792x128xi32>
    %lt3A_37 = arith.cmpi slt, %add3A_35, %lt3A_36 : vector<1792x128xi32>
    %broadcast_in_dim3A = vector.shape_cast %get3A_20 : vector<1792xf32> to vector<1792x1xf32>
    %mul3A_38 = arith.mulf %logistic3A_15, %broadcast_in_dim3A : vector<1792x1xf32>
    %mul3A_39 = vector.broadcast %mul3A_38 : vector<1792x1xf32> to vector<1792x128xf32>
    %mul3A_40 = arith.mulf %get3A_1, %mul3A_39 : vector<1792x128xf32>
    %jit3A = arith.constant 0.000000e+00 : f32
    %broadcast_in_dim3A_41 = vector.broadcast %jit3A : f32 to vector<1792x128xf32>
    %select_n3A = arith.select %lt3A_37, %mul3A_40, %broadcast_in_dim3A_41 : vector<1792x128xi1>, vector<1792x128xf32>
    %swap3A = arith.constant 0 : index
    %swap3A_42 = arith.constant 0 : index
    %swap3A_43 = vector.load %arg7[%swap3A, %swap3A_42] : memref<1792x128xf32, #tpu.memory_space<vmem>>, vector<1792x128xf32>
    tpu.vector_store %arg7[%swap3A, %swap3A_42], %select_n3A {strides = array<i32>} : memref<1792x128xf32, #tpu.memory_space<vmem>>, vector<1792x128xf32>,
    %gt3A = arith.constant 0 : i32
    %gt3A_44 = vector.broadcast %gt3A : i32 to vector<1792xi32>
    %gt3A_45 = arith.cmpi sgt, %get3A_30, %gt3A_44 : vector<1792xi32>
    %convert_element_type3A = arith.extui %gt3A_45 : vector<1792xi1> to vector<1792xi32>
    %convert_element_type3A_46 = arith.sitofp %convert_element_type3A : vector<1792xi32> to vector<1792xf32>
    %mul3A_47 = arith.mulf %get3A_25, %convert_element_type3A_46 : vector<1792xf32>
    %broadcast_in_dim3A_48 = vector.shape_cast %mul3A_47 : vector<1792xf32> to vector<1792x1xf32>
    %mul3A_49 = arith.mulf %logistic3A_15, %broadcast_in_dim3A_48 : vector<1792x1xf32>
    %mul3A_50 = vector.broadcast %mul3A_49 : vector<1792x1xf32> to vector<1792x128xf32>
    %mul3A_51 = arith.mulf %get3A_1, %mul3A_50 : vector<1792x128xf32>
    %jit3A_52 = arith.constant 0.000000e+00 : f32
    %broadcast_in_dim3A_53 = vector.broadcast %jit3A_52 : f32 to vector<1792x128xf32>
    %select_n3A_54 = arith.select %lt3A_37, %mul3A_51, %broadcast_in_dim3A_53 : vector<1792x128xi1>, vector<1792x128xf32>
    %swap3A_55 = arith.constant 0 : index
    %swap3A_56 = arith.constant 0 : index
    %swap3A_57 = vector.load %arg8[%swap3A_55, %swap3A_56] : memref<1792x128xf32, #tpu.memory_space<vmem>>, vector<1792x128xf32>
    tpu.vector_store %arg8[%swap3A_55, %swap3A_56], %select_n3A_54 {strides = array<i32>} : memref<1792x128xf32, #tpu.memory_space<vmem>>, vector<1792x128xf32>,
    return
  }
  func.func @transform_0(%arg0: i32) -> (i32, i32) {
    %add3A = arith.constant 28 : i32
    %add3A_0 = arith.addi %arg0, %add3A : i32
    %c0_i32 = arith.constant 0 : i32
    %c0_i32_1 = arith.constant 0 : i32
    return %add3A_0, %c0_i32 : i32, i32
  }
  func.func @transform_1(%arg0: i32) -> (i32, i32, i32) {
    %add3A = arith.constant 28 : i32
    %add3A_0 = arith.addi %arg0, %add3A : i32
    %c0_i32 = arith.constant 0 : i32
    %c0_i32_1 = arith.constant 0 : i32
    %c0_i32_2 = arith.constant 0 : i32
    return %add3A_0, %c0_i32, %c0_i32_1 : i32, i32, i32
  }
  func.func @transform_2(%arg0: i32) -> (i32, i32, i32) {
    %add3A = arith.constant 28 : i32
    %add3A_0 = arith.addi %arg0, %add3A : i32
    %c0_i32 = arith.constant 0 : i32
    %c0_i32_1 = arith.constant 0 : i32
    %c0_i32_2 = arith.constant 0 : i32
    return %add3A_0, %c0_i32, %c0_i32_1 : i32, i32, i32
  }
  func.func @transform_3(%arg0: i32) -> (i32, i32, i32) {
    %add3A = arith.constant 28 : i32
    %add3A_0 = arith.addi %arg0, %add3A : i32
    %c0_i32 = arith.constant 0 : i32
    %c0_i32_1 = arith.constant 0 : i32
    %c0_i32_2 = arith.constant 0 : i32
    return %add3A_0, %c0_i32, %c0_i32_1 : i32, i32, i32
  }
  func.func @transform_4(%arg0: i32) -> (i32, i32) {
    %c0_i32 = arith.constant 0 : i32
    %c0_i32_0 = arith.constant 0 : i32
    %c0_i32_1 = arith.constant 0 : i32
    return %c0_i32, %c0_i32_0 : i32, i32
  }
  func.func @transform_5(%arg0: i32) -> (i32, i32) {
    %c0_i32 = arith.constant 0 : i32
    %c0_i32_0 = arith.constant 0 : i32
    %c0_i32_1 = arith.constant 0 : i32
    return %c0_i32, %c0_i32_0 : i32, i32
  }
  func.func @transform_6(%arg0: i32) -> (i32, i32) {
    %c0_i32 = arith.constant 0 : i32
    %c0_i32_0 = arith.constant 0 : i32
    return %arg0, %c0_i32 : i32, i32
  }
  func.func @transform_7(%arg0: i32) -> (i32, i32) {
    %c0_i32 = arith.constant 0 : i32
    %c0_i32_0 = arith.constant 0 : i32
    return %arg0, %c0_i32 : i32, i32
  }
}

module attributes {stable_mosaic.version = 14 : i64} {
  func.func @_gate_body(%arg0: i32, %arg1: memref<1792x128xf32, #tpu.memory_space<vmem>>, %arg2: memref<1x1x1792xf32, #tpu.memory_space<vmem>>, %arg3: memref<1x1x1792xf32, #tpu.memory_space<vmem>>, %arg4: memref<1x1x1792xi32, #tpu.memory_space<vmem>>, %arg5: memref<128x8xf32, #tpu.memory_space<vmem>>, %arg6: memref<1x1xf32, #tpu.memory_space<vmem>>, %arg7: memref<1792x128xf32, #tpu.memory_space<vmem>>, %arg8: memref<1792x128xf32, #tpu.memory_space<vmem>>) attributes {dimension_semantics = [#tpu.dimension_semantics<arbitrary>], iteration_bounds = array<i64: 28>, scalar_prefetch = 0 : i64, scratch_operands = 0 : i64, tpu.core_type = #tpu.core_type<tc>, window_params = [{transform_indices = @transform_0, window_bounds = array<i64: 1792, 128>}, {transform_indices = @transform_1, window_bounds = array<i64: 1, 1, 1792>}, {transform_indices = @transform_2, window_bounds = array<i64: 1, 1, 1792>}, {transform_indices = @transform_3, window_bounds = array<i64: 1, 1, 1792>}, {pipeline_mode = #tpu.pipeline_mode<synchronous>, transform_indices = @transform_4, window_bounds = array<i64: 128, 8>}, {pipeline_mode = #tpu.pipeline_mode<synchronous>, transform_indices = @transform_5, window_bounds = array<i64: 1, 1>}, {transform_indices = @transform_6, window_bounds = array<i64: 1792, 128>}, {transform_indices = @transform_7, window_bounds = array<i64: 1792, 128>}]} {
    %get3A = arith.constant 0 : index
    %get3A_0 = arith.constant 0 : index
    %get3A_1 = vector.load %arg1[%get3A, %get3A_0] : memref<1792x128xf32, #tpu.memory_space<vmem>>, vector<1792x128xf32>
    %get3A_2 = arith.constant 0 : index
    %get3A_3 = arith.constant 0 : index
    %get3A_4 = vector.load %arg5[%get3A_2, %get3A_3] : memref<128x8xf32, #tpu.memory_space<vmem>>, vector<128x8xf32>
    %dot_general3A = arith.constant dense<0.000000e+00> : vector<1792x8xf32>
    %dot_general3A_5 = tpu.matmul %get3A_1, %get3A_4, %dot_general3A {dimension_numbers = #tpu.dot_dimension_numbers<[1], [0], [0], [1], [0, 0, 1, 1], [], []>, transpose_lhs_hint = false} : vector<1792x128xf32>, vector<128x8xf32>, vector<1792x8xf32> -> vector<1792x8xf32>
    %slice3A = vector.extract_strided_slice %dot_general3A_5 {offsets = [0, 0], sizes = [1792, 1], strides = [1, 1]} : vector<1792x8xf32> to vector<1792x1xf32>
    %get3A_6 = arith.constant 0 : index
    %get3A_7 = arith.constant 0 : index
    %get3A_8 = vector.load %arg6[%get3A_6, %get3A_7] : memref<1x1xf32, #tpu.memory_space<vmem>>, vector<1x1xf32>
    %get3A_9 = vector.extract %get3A_8[0, 0] : f32 from vector<1x1xf32>
    %add3A = vector.broadcast %get3A_9 : f32 to vector<1792x1xf32>
    %add3A_10 = arith.addf %slice3A, %add3A : vector<1792x1xf32>
    %logistic3A = arith.negf %add3A_10 : vector<1792x1xf32>
    %logistic3A_11 = math.exp %logistic3A : vector<1792x1xf32>
    %logistic3A_12 = arith.constant 1.000000e+00 : f32
    %logistic3A_13 = vector.broadcast %logistic3A_12 : f32 to vector<1792x1xf32>
    %logistic3A_14 = arith.addf %logistic3A_13, %logistic3A_11 : vector<1792x1xf32>
    %logistic3A_15 = arith.divf %logistic3A_13, %logistic3A_14 : vector<1792x1xf32>
    %get3A_16 = arith.constant 0 : index
    %get3A_17 = arith.constant 0 : index
    %get3A_18 = arith.constant 0 : index
    %get3A_19 = vector.load %arg2[%get3A_16, %get3A_17, %get3A_18] : memref<1x1x1792xf32, #tpu.memory_space<vmem>>, vector<1x1x1792xf32>
    %get3A_20 = vector.shape_cast %get3A_19 : vector<1x1x1792xf32> to vector<1792xf32>
    %get3A_21 = arith.constant 0 : index
    %get3A_22 = arith.constant 0 : index
    %get3A_23 = arith.constant 0 : index
    %get3A_24 = vector.load %arg3[%get3A_21, %get3A_22, %get3A_23] : memref<1x1x1792xf32, #tpu.memory_space<vmem>>, vector<1x1x1792xf32>
    %get3A_25 = vector.shape_cast %get3A_24 : vector<1x1x1792xf32> to vector<1792xf32>
    %get3A_26 = arith.constant 0 : index
    %get3A_27 = arith.constant 0 : index
    %get3A_28 = arith.constant 0 : index
    %get3A_29 = vector.load %arg4[%get3A_26, %get3A_27, %get3A_28] : memref<1x1x1792xi32, #tpu.memory_space<vmem>>, vector<1x1x1792xi32>
    %get3A_30 = vector.shape_cast %get3A_29 : vector<1x1x1792xi32> to vector<1792xi32>
    %add3A_31 = arith.constant 0 : i32
    %add3A_32 = arith.addi %arg0, %add3A_31 : i32
    %mul3A = arith.constant 1792 : i32
    %mul3A_33 = arith.muli %add3A_32, %mul3A : i32
    %iota3A = tpu.iota {dimensions = array<i32: 0>} : vector<1792x128xi32>
    %add3A_34 = vector.broadcast %mul3A_33 : i32 to vector<1792x128xi32>
    %add3A_35 = arith.addi %add3A_34, %iota3A : vector<1792x128xi32>
    %lt3A = arith.constant 100000 : i32
    %lt3A_36 = vector.broadcast %lt3A : i32 to vector<1792x128xi32>
    %lt3A_37 = arith.cmpi slt, %add3A_35, %lt3A_36 : vector<1792x128xi32>
    %broadcast_in_dim3A = vector.shape_cast %get3A_20 : vector<1792xf32> to vector<1792x1xf32>
    %mul3A_38 = arith.mulf %logistic3A_15, %broadcast_in_dim3A : vector<1792x1xf32>
    %mul3A_39 = vector.broadcast %mul3A_38 : vector<1792x1xf32> to vector<1792x128xf32>
    %mul3A_40 = arith.mulf %get3A_1, %mul3A_39 : vector<1792x128xf32>
    %jit3A = arith.constant 0.000000e+00 : f32
    %broadcast_in_dim3A_41 = vector.broadcast %jit3A : f32 to vector<1792x128xf32>
    %select_n3A = arith.select %lt3A_37, %mul3A_40, %broadcast_in_dim3A_41 : vector<1792x128xi1>, vector<1792x128xf32>
    %swap3A = arith.constant 0 : index
    %swap3A_42 = arith.constant 0 : index
    %swap3A_43 = vector.load %arg7[%swap3A, %swap3A_42] : memref<1792x128xf32, #tpu.memory_space<vmem>>, vector<1792x128xf32>
    tpu.vector_store %arg7[%swap3A, %swap3A_42], %select_n3A {strides = array<i32>} : memref<1792x128xf32, #tpu.memory_space<vmem>>, vector<1792x128xf32>,
    %gt3A = arith.constant 0 : i32
    %gt3A_44 = vector.broadcast %gt3A : i32 to vector<1792xi32>
    %gt3A_45 = arith.cmpi sgt, %get3A_30, %gt3A_44 : vector<1792xi32>
    %convert_element_type3A = arith.extui %gt3A_45 : vector<1792xi1> to vector<1792xi32>
    %convert_element_type3A_46 = arith.sitofp %convert_element_type3A : vector<1792xi32> to vector<1792xf32>
    %mul3A_47 = arith.mulf %get3A_25, %convert_element_type3A_46 : vector<1792xf32>
    %broadcast_in_dim3A_48 = vector.shape_cast %mul3A_47 : vector<1792xf32> to vector<1792x1xf32>
    %mul3A_49 = arith.mulf %logistic3A_15, %broadcast_in_dim3A_48 : vector<1792x1xf32>
    %mul3A_50 = vector.broadcast %mul3A_49 : vector<1792x1xf32> to vector<1792x128xf32>
    %mul3A_51 = arith.mulf %get3A_1, %mul3A_50 : vector<1792x128xf32>
    %jit3A_52 = arith.constant 0.000000e+00 : f32
    %broadcast_in_dim3A_53 = vector.broadcast %jit3A_52 : f32 to vector<1792x128xf32>
    %select_n3A_54 = arith.select %lt3A_37, %mul3A_51, %broadcast_in_dim3A_53 : vector<1792x128xi1>, vector<1792x128xf32>
    %swap3A_55 = arith.constant 0 : index
    %swap3A_56 = arith.constant 0 : index
    %swap3A_57 = vector.load %arg8[%swap3A_55, %swap3A_56] : memref<1792x128xf32, #tpu.memory_space<vmem>>, vector<1792x128xf32>
    tpu.vector_store %arg8[%swap3A_55, %swap3A_56], %select_n3A_54 {strides = array<i32>} : memref<1792x128xf32, #tpu.memory_space<vmem>>, vector<1792x128xf32>,
    return
  }
  func.func @transform_0(%arg0: i32) -> (i32, i32) {
    %add3A = arith.constant 0 : i32
    %add3A_0 = arith.addi %arg0, %add3A : i32
    %c0_i32 = arith.constant 0 : i32
    %c0_i32_1 = arith.constant 0 : i32
    return %add3A_0, %c0_i32 : i32, i32
  }
  func.func @transform_1(%arg0: i32) -> (i32, i32, i32) {
    %add3A = arith.constant 0 : i32
    %add3A_0 = arith.addi %arg0, %add3A : i32
    %c0_i32 = arith.constant 0 : i32
    %c0_i32_1 = arith.constant 0 : i32
    %c0_i32_2 = arith.constant 0 : i32
    return %add3A_0, %c0_i32, %c0_i32_1 : i32, i32, i32
  }
  func.func @transform_2(%arg0: i32) -> (i32, i32, i32) {
    %add3A = arith.constant 0 : i32
    %add3A_0 = arith.addi %arg0, %add3A : i32
    %c0_i32 = arith.constant 0 : i32
    %c0_i32_1 = arith.constant 0 : i32
    %c0_i32_2 = arith.constant 0 : i32
    return %add3A_0, %c0_i32, %c0_i32_1 : i32, i32, i32
  }
  func.func @transform_3(%arg0: i32) -> (i32, i32, i32) {
    %add3A = arith.constant 0 : i32
    %add3A_0 = arith.addi %arg0, %add3A : i32
    %c0_i32 = arith.constant 0 : i32
    %c0_i32_1 = arith.constant 0 : i32
    %c0_i32_2 = arith.constant 0 : i32
    return %add3A_0, %c0_i32, %c0_i32_1 : i32, i32, i32
  }
  func.func @transform_4(%arg0: i32) -> (i32, i32) {
    %c0_i32 = arith.constant 0 : i32
    %c0_i32_0 = arith.constant 0 : i32
    %c0_i32_1 = arith.constant 0 : i32
    return %c0_i32, %c0_i32_0 : i32, i32
  }
  func.func @transform_5(%arg0: i32) -> (i32, i32) {
    %c0_i32 = arith.constant 0 : i32
    %c0_i32_0 = arith.constant 0 : i32
    %c0_i32_1 = arith.constant 0 : i32
    return %c0_i32, %c0_i32_0 : i32, i32
  }
  func.func @transform_6(%arg0: i32) -> (i32, i32) {
    %c0_i32 = arith.constant 0 : i32
    %c0_i32_0 = arith.constant 0 : i32
    return %arg0, %c0_i32 : i32, i32
  }
  func.func @transform_7(%arg0: i32) -> (i32, i32) {
    %c0_i32 = arith.constant 0 : i32
    %c0_i32_0 = arith.constant 0 : i32
    return %arg0, %c0_i32 : i32, i32
  }
}

</mosaic_0001>

<sc_bundles>
// kernel: kernel.10.cloned.1.call-start
scs
__scs_entry_jumppad:
0x0: {  	(pc) =	sbr.rel $0x88, $3  }
0x1: {  	(tag) =	ssettag $0x0;
	lr =	simm.s32 $0x1  }
0x2: {  	[smem:$0x3F94] =	sst lr;
	_ =	strace $0xD0000000  }
0x3: {  	_ = 	snop  }
0x4: {  	_ = 	snop  }
0x5: {  	_ = 	snop  }
0x6: {  	_ = 	snop  }
0x7: {  	_ = 	snop  }
__scs_overlays_trampoline_lowered:
0x8: {  	[smem:$0x3FA3] =	sst s0  }
0x9: {  	[smem:$0x3FA4] =	sst s1  }
0xa: {  	[smem:$0x3FA5] =	sst s2  }
0xb: {  	[smem:$0x3FA6] =	sst s3  }
0xc: {  	[smem:$0x3FA7] =	sst s4  }
0xd: {  	[smem:$0x3FA8] =	sst s5  }
0xe: {  	[smem:$0x3FA9] =	sst s6  }
0xf: {  	[smem:$0x3FAA] =	sst s7  }
0x10: {  	[smem:$0x3FAB] =	sst s8  }
0x11: {  	[smem:$0x3FAC] =	sst s9;
	s0 =	simm.s32 @!p0 $0x0  }
0x12: {  	s1 =	sld [smem:$0x3F92];
	s0 =	simm.s32 @p0 $0x1  }
0x13: {  	[smem:$0x3FAD] =	sst s0;
	s0 =	simm.s32 @!p1 $0x0  }
0x14: {  	s2 =	sld [smem:$0x3F91];
	s0 =	simm.s32 @p1 $0x1  }
0x15: {  	[smem:$0x3FAE] =	sst s0;
	s0 =	simm.s32 @!p2 $0x0  }
0x16: {  	s3 =	sld [smem:$0x3FDB];
	s0 =	simm.s32 @p2 $0x1  }
0x17: {  	s4 =	simm.s32 $0x1BF5;
	[smem:$0x3FB0] =	sst s0  }
0x18: {  	s0 =	sld [smem:$0x3F93];
	_ =	swait.ge [sflag:s4], $0x0  }
0x19: {  	s7 =	sld [smem:$0x3F94]  }
0x1a: {  	s8 =	sadd.s32 $0xFFFFE003, lr  }
0x1b: {  	s9 =	sadd.s32 $0xFFFFFEF7, lr;
	s5 =	simm.s32 $0xFFFFFFFF;
	p2 =	slt.u32 s8, $0xFFFFF086  }
0x1c: {  	p1 =	slt.u32 s9, $0xF7A;
	s5 =	simm.s32 @!p2 $0x0  }
0x1d: {  	s5 =	simm.s32 @p1 $0x1;
	p0 =	seq.s32 s7, s2  }
0x1e: {  	s7 =	smul.u32 @!p0 $0xF7A, s2;
	p2 =	seq.s32 @!p0 s5, $0x0  }
0x1f: {  	s9 =	smul.u32 $0xF7A, s1;
	s8 =	simm.s32 @!p0 $0x1BF5;
	p2 =	por !p2, p0  }
0x20: {  	[sflag:s8] =	ssyncset.s32 @!p0 $0xFFFFF086;
	s6 =	sadd.s32 @!p0 s3, s7;
	s7 =	simm.s32 @!p0 $0x108  }
0x21: {  	s3 =	sadd.s32 s3, s9;
	s6 =	sadd.s32 @!p0 $0x88, s6;
	s7 =	simm.s32 @p2 $0x1082  }
0x22: {  	[simem:s7], [sflag:s8] =	dma.local @!p0 [hbm:s6], $0xF7A  }
0x23: {  	s9 =	sor.u32 $0xD0000000, s2;
	s6 =	simm.s32 $0x108;
	_ =	swait.ge @!p0 [sflag:s8], $0x0  }
0x24: {  	s3 =	sadd.s32 $0x88, s3;
	s6 =	simm.s32 @!p1 $0x1082;
	[sflag:s4] =	ssyncset.s32 $0xFFFFF086  }
0x25: {  	[simem:s6], [sflag:s4] =	dma.local [hbm:s3], $0xF7A  }
0x26: {  	[smem:$0x3F94] =	sst s1;
	(tag) =	ssettag s2;
	_ =	strace s9  }
0x27: {  	s1 =	sld [smem:$0x3FA4]  }
0x28: {  	s2 =	sld [smem:$0x3FA5]  }
0x29: {  	s4 =	sld [smem:$0x3FA7]  }
0x2a: {  	p0 =	seq.s32 s5, $0x0;
	s5 =	sld [smem:$0x3FA8]  }
0x2b: {  	s6 =	sld [smem:$0x3FA9]  }
0x2c: {  	s7 =	sld [smem:$0x3FAA]  }
0x2d: {  	s3 =	simm.s32 $0x108;
	s8 =	sld [smem:$0x3FAB]  }
0x2e: {  	s3 =	simm.s32 @!p0 $0x1082;
	s9 =	sld [smem:$0x3FAC]  }
0x2f: {  	lr =	sadd.s32 s0, s3;
	s0 =	sld [smem:$0x3FA3]  }
0x30: {  	s3 =	sld [smem:$0x3FA6]  }
0x31: {  	[smem:$0x3FAF] =	sst s10  }
0x32: {  	s10 =	sld [smem:$0x3FAD];
	_ =	sdelay $0x3  }
0x33: {  	p0 =	seq.s32 s10, $0x1;
	s10 =	sld [smem:$0x3FAF];
	_ =	sdelay $0x3  }
0x34: {  	[smem:$0x3FAF] =	sst s10  }
0x35: {  	s10 =	sld [smem:$0x3FAE];
	_ =	sdelay $0x3  }
0x36: {  	p1 =	seq.s32 s10, $0x1;
	s10 =	sld [smem:$0x3FAF];
	_ =	sdelay $0x3  }
0x37: {  	[smem:$0x3FAF] =	sst s10  }
0x38: {  	s10 =	sld [smem:$0x3FB0]  }
0x39: {  	_ = 	snop;
	(pc) =	sbr.ind lr, $3  }
0x3a: {  	_ = 	snop  }
0x3b: {  	_ = 	snop  }
0x3c: {  	p2 =	seq.s32 s10, $0x1;
	s10 =	sld [smem:$0x3FAF]  }
0x3d: {  	_ =	shalt  }
0x3e: {  	_ =	shalt  }
0x3f: {  	_ =	shalt  }
0x40: {  	_ =	shalt  }
0x41: {  	_ =	shalt  }
0x42: {  	_ =	shalt  }
0x43: {  	_ =	shalt  }
0x44: {  	_ =	shalt  }
0x45: {  	_ =	shalt  }
0x46: {  	_ =	shalt  }
0x47: {  	_ =	shalt  }
0x48: {  	_ =	shalt  }
0x49: {  	_ =	shalt  }
0x4a: {  	_ =	shalt  }
0x4b: {  	_ =	shalt  }
0x4c: {  	_ =	shalt  }
0x4d: {  	_ =	shalt  }
0x4e: {  	_ =	shalt  }
0x4f: {  	_ =	shalt  }
0x50: {  	_ =	shalt  }
0x51: {  	_ =	shalt  }
0x52: {  	_ =	shalt  }
0x53: {  	_ =	shalt  }
0x54: {  	_ =	shalt  }
0x55: {  	_ =	shalt  }
0x56: {  	_ =	shalt  }
0x57: {  	_ =	shalt  }
0x58: {  	_ =	shalt  }
0x59: {  	_ =	shalt  }
0x5a: {  	_ =	shalt  }
0x5b: {  	_ =	shalt  }
0x5c: {  	_ =	shalt  }
0x5d: {  	_ =	shalt  }
0x5e: {  	_ =	shalt  }
0x5f: {  	_ =	shalt  }
0x60: {  	_ =	shalt  }
0x61: {  	_ =	shalt  }
0x62: {  	_ =	shalt  }
0x63: {  	_ =	shalt  }
0x64: {  	_ =	shalt  }
0x65: {  	_ =	shalt  }
0x66: {  	_ =	shalt  }
0x67: {  	_ =	shalt  }
0x68: {  	_ =	shalt  }
0x69: {  	_ =	shalt  }
0x6a: {  	_ =	shalt  }
0x6b: {  	_ =	shalt  }
0x6c: {  	_ =	shalt  }
0x6d: {  	_ =	shalt  }
0x6e: {  	_ =	shalt  }
0x6f: {  	_ =	shalt  }
0x70: {  	_ =	shalt  }
0x71: {  	_ =	shalt  }
0x72: {  	_ =	shalt  }
0x73: {  	_ =	shalt  }
0x74: {  	_ =	shalt  }
0x75: {  	_ =	shalt  }
0x76: {  	_ =	shalt  }
0x77: {  	_ =	shalt  }
0x78: {  	_ =	shalt  }
0x79: {  	_ =	shalt  }
0x7a: {  	_ =	shalt  }
0x7b: {  	_ =	shalt  }
0x7c: {  	_ =	shalt  }
0x7d: {  	_ =	shalt  }
0x7e: {  	_ =	shalt  }
0x7f: {  	_ =	shalt  }
0x80: {  	_ =	shalt  }
0x81: {  	_ =	shalt  }
0x82: {  	_ =	shalt  }
0x83: {  	_ =	shalt  }
0x84: {  	_ =	shalt  }
0x85: {  	_ =	shalt  }
0x86: {  	_ =	shalt  }
0x87: {  	_ =	shalt  }
.Lfunc_end0:
.L_simem_size_0:
called_computation.1_lowered:
.L_overlay_start_0:
0x88: {  	s2 =	sld [smem:$0x3FD9]  }
0x89: {  	s3 =	sld [smem:$0x3FFE];
	_ =	sdelay $0x1  }
0x8a: {  	s1 =	srdreg.scid  }
0x8b: {  	s0 =	sand.u32 $0x1, s1  }
0x8c: {  	s14 =	sshll.u32 s0, $0xA;
	s2 =	sadd.s32 s3, s2  }
0x8d: {  	s2 =	sadd.s32 s2, s14  }
0x8e: {  	[smem:$0x3FBB] =	sst s2  }
0x8f: {  	_ = 	snop  }
0x90: {  	s2 =	sld [smem:$0x3FD0];
	_ =	sdelay $0x2  }
0x91: {  	s15 =	simm.s32 $0xB;
	s4 =	simm.s32 $0x10  }
0x92: {  	[smem:s4], [sflag:s15] =	dma.local [hbm:s2], $0x1  }
0x93: {  	_ =	swait.eq [sflag:s15], $0x1  }
0x94: {  	[sflag:s15] =	ssyncset.done $0x0  }
0x95: {  	s16 =	sld [smem:$0x10];
	[sflag:s15] =	ssyncadd.s32 $0xFFFFFFFF  }
0x96: {  	s17 =	sld [smem:$0x11];
	(tm) =	ssettm $0x1  }
0x97: {  	s18 =	sld [smem:$0x3FFB];
	_ =	sdelay $0x3  }
0x98: {  	_ =	strace s18  }
0x99: {  	s4 =	sld [smem:$0x3FFC];
	_ =	sdelay $0x3  }
0x9a: {  	_ =	strace s4  }
0x9b: {  	s4 =	sld [smem:$0x3FFD];
	_ =	sdelay $0x3  }
0x9c: {  	_ =	strace s4  }
0x9d: {  	_ =	strace $0x8FFFFFFF  }
0x9e: {  	s19 =	sld [smem:$0x3FDB];
	_ =	sdelay $0x1  }
0x9f: {  	s5 =	simm.s32 $_scs_section_size  }
0xa0: {  	s6 =	simm.s32 $_size__tile_overlayer_lowered;
	s7 =	simm.s32 $_tile_overlayer_lowered  }
0xa1: {  	s22 =	simm.s32 $0x1BFF;
	s21 =	sshll.u32 s7, $0x1;
	s4 =	sadd.s32 s5, s19  }
0xa2: {  	s8 =	simm.s32 $0x0;
	s20 =	sshll.u32 s6, $0x1;
	s6 =	sadd.s32 s21, s4  }
0xa3: {  	[timem:s8], [sflag:s22] =	dma.local [hbm:s6], s20  }
0xa4: {  	_ =	swait.ge [sflag:s22], s20  }
0xa5: {  	s5 =	ssub.s32 $0x0, s20;
	[sflag:s22] =	ssyncset.done $0x0  }
0xa6: {  	[sflag:s22] =	ssyncadd.s32 s5;
	_ =	sdelay $0x1  }
0xa7: {  	s23 =	simm.s32 $0x1B8B  }
0xa8: {  	_ =	swait.ge [sflag:s23], $0x1  }
0xa9: {  	[sflag:s23] =	ssyncset.done $0x0  }
0xaa: {  	s25 =	simm.s32 $0x1B8E;
	s24 =	sld [smem:$0x3FFE];
	[sflag:s23] =	ssyncadd.s32 $0xFFFFFFFF  }
0xab: {  	s26 =	simm.s32 $execute0_lowered;
	[smem:$0x3FD2] =	sst s25  }
0xac: {  	s6 =	sshll.u32 s26, $0x1;
	_ =	strace $0x80000046;
	[dreg:$0x1] =	wrdreg $0xFFFFFFFF  }
0xad: {  	s28 =	simm.s32 $_size_execute0_lowered;
	s4 =	sadd.s32 s4, s6;
	[dreg:$0x0] =	wrdreg $0x0  }
0xae: {  	s6 =	sshll.u32 s28, $0x1;
	[dreg:$0x2] =	wrdreg s4  }
0xaf: {  	[dreg:$0x3] =	wrdreg s6  }
0xb0: {  	[dreg:$0x4] =	wrdreg $0xC0  }
0xb1: {  	_ =	task [dreg:s8], $0x5FFFF  }
0xb2: {  	[dreg:$0x1] =	wrdreg $0xFFFFFFFF  }
0xb3: {  	[dreg:$0x0] =	wrdreg $0x60  }
0xb4: {  	[dreg:$0x2] =	wrdreg s24  }
0xb5: {  	[dreg:$0x3] =	wrdreg s17  }
0xb6: {  	[dreg:$0x4] =	wrdreg s16  }
0xb7: {  	[dreg:$0x5] =	wrdreg $0x0  }
0xb8: {  	[dreg:$0x6] =	wrdreg $0xA  }
0xb9: {  	_ =	task.clear_ibuf [dreg:s8], $0x7FFFF;
	_ =	strace $0x90000046  }
0xba: {  	s29 =	simm.s32 $0xA;
	_ =	strace $0x80000048  }
0xbb: {  	_ =	swait.ge [sflag:s29], $0x1  }
0xbc: {  	[sflag:s29] =	ssyncadd.s32 $0xFFFFFFFF  }
0xbd: {  	_ =	strace $0x90000048  }
0xbe: {  	_ =	sfence  }
0xbf: {  	s30 =	sld [smem:$0x0];
	_ =	sdelay $0x2  }
0xc0: {  	s31 =	sshll.u32 s1, $0xD;
	s1 =	sshrl.u32 s1, $0x2  }
0xc1: {  	s3 =	sand.u32 $0x4000, s31;
	s1 =	sadd.s32 s1, s30  }
0xc2: {  	s0 =	sor.u32 s3, s0;
	s1 =	sshll.u32 s1, $0x11  }
0xc3: {  	s0 =	sor.u32 s1, s0  }
0xc4: {  	s0 =	sadd.s32 $0x8F2B, s0  }
0xc5: {  	[sflag:s0] =	ssyncadd.remote.s32 $0x1  }
0xc6: {  	_ =	sfence.sel $0xFFFF  }
0xc7: {  	[dreg:$0x0] =	wrdreg $0xFFFFFFFF;
	(pc) =	sbr.abs _section_cstart, $3  }
0xc8: {  	[dreg:$0x1] =	wrdreg $0xFFFFFFFF  }
0xc9: {  	_ =	task.clear_ibuf [dreg:s8], $0x2FFFF;
	_ =	strace $0x9FFFFFFF  }
0xca: {  	(tm) =	ssettm $0x7FFFFFFF  }
0xcb: {  	_ =	shalt  }
tec
execute0_lowered:
.L_overlay_start_1:
0x0: {  	(tag) =	ssettag $0x1  }
0x1: {  	s0 =	rddreg [dreg:$0x0]  }
0x2: {  	s2 =	rddreg [dreg:$0x1]  }
0x3: {  	s3 =	rddreg [dreg:$0x2]  }
0x4: {  	s4 =	rddreg [dreg:$0x3]  }
0x5: {  	s14 =	stileid.u32;
	s1 =	srdreg.scid  }
0x6: {  	s5 =	simm.s32 $0x0;
	s28 =	simm.s32 $0x18480;
	s29 =	simm.s32 $0x18580  }
0x7: {  	s30 =	simm.s32 $0x70;
	s31 =	simm.s32 $0x2;
	s8 =	smul.u32 $0xA400, s14  }
0x8: {  	s1 =	sand.u32 $0x1, s1;
	[smem:$0x7FF] =	sst s5;
	s13 =	smul.u32 $0x29000, s14  }
0x9: {  	s6 =	sadd.s32 $0x1E00, s0;
	s7 =	sadd.s32 $0xC5E00, s0;
	s17 =	smul.u32 $0x6200, s14  }
0xa: {  	s23 =	sshll.u32 s14, $0x6;
	s9 =	smul.u32 $0xA4000, s1;
	_ =	strace $0x80000047  }
0xb: {  	s20 =	ssub.s32 $0x2, s1;
	s11 =	sshll.u32 s1, $0x4;
	s26 =	smul.u32 $0x62000, s1  }
0xc: {  	s15 =	sor.u32 $0x1C05, s23;
	s1 =	smul.u32 $0x6200, s1;
	s10 =	sshrl.u32 s8, $0x3  }
0xd: {  	s12 =	sshrl.u32 s20, $0x1;
	s11 =	sor.u32 s14, s11;
	s22 =	sshrl.u32 s13, $0x2  }
0xe: {  	s10 =	sadd.s32 s10, s0;
	s8 =	sadd.s32 s8, s9;
	s21 =	smul.u32 $0x620, s11  }
0xf: {  	s11 =	smul.u32 $0x6200, s11;
	s23 =	sadd.s32 s26, s7;
	s8 =	sshrl.u32 s8, $0x3  }
0x10: {  	s10 =	sadd.s32 $0x189E00, s10;
	s0 =	sadd.s32 s8, s0;
	s8 =	ssub.s32 s20, s12  }
0x11: {  	s12 =	sadd.s32 s22, s4;
	[dreg:$0x9] =	wrdreg s10;
	s24 =	sadd.s32 s6, s11  }
0x12: {  	s25 =	sshrl.u32 s21, $0x3;
	s11 =	sadd.s32 s7, s11;
	[dreg:$0x8] =	wrdreg s12  }
0x13: {  	s9 =	sadd.s32 $0xE0, s21;
	s20 =	smul.u32 $0x620, s14;
	[dreg:$0xa] =	wrdreg s24  }
0x14: {  	s22 =	sadd.s32 s26, s6;
	[dreg:$0xb] =	wrdreg s11;
	s16 =	sadd.s32 $0x1880, s25  }
0x15: {  	[dreg:$0x5] =	wrdreg s9;
	s0 =	sadd.s32 $0x19E600, s0;
	s21 =	smax.u32 s8, $0x1  }
0x16: {  	s8 =	sadd.s32 s17, s23;
	s23 =	simm.s32 $0x18500;
	[dreg:$0xe] =	wrdreg s0  }
0x17: {  	s18 =	sadd.s32 s2, s16;
	s19 =	sadd.s32 s3, s16;
	[dreg:$0xf] =	wrdreg s21  }
0x18: {  	s0 =	sadd.s32 s17, s22;
	s1 =	sadd.s32 s20, s1;
	s24 =	sadd.s32 $0x700, s8  }
0x19: {  	s20 =	simm.s32 $0xA400;
	s21 =	simm.s32 $0x11400;
	[dreg:$0xc] =	wrdreg s18  }
0x1a: {  	s22 =	simm.s32 $0x18400;
	s8 =	simm.s32 $0x0;
	[dreg:$0xd] =	wrdreg s19  }
0x1b: {  	s0 =	sadd.s32 $0x700, s0;
	s1 =	sadd.s32 $0xC470, s1;
	[dreg:$0x7] =	wrdreg s24  }
0x1c: {  	s19 =	simm.s32 $0x5;
	s24 =	simm.s32 $0x1;
	s1 =	sshrl.u32 s1, $0x3  }
0x1d: {  	[dreg:$0x6] =	wrdreg s0;
	s0 =	simm.s32 $0x3;
	s25 =	sadd.s32 s1, s3  }
0x1e: {  	s26 =	sadd.s32 s1, s2;
	s1 =	simm.s32 $0x4;
	[dreg:$0x10] =	wrdreg s25  }
0x1f: {  	[dreg:$0x11] =	wrdreg s26;
	s25 =	simm.s32 $0xDC00;
	s26 =	simm.s32 $0x14C00  }
.LBB2_1:
0x20: {  	s9 =	rddreg [dreg:$0x8]  }
0x21: {  	s10 =	rddreg [dreg:$0x9];
	s9 =	sshrl.u32 s9, $0x3  }
0x22: {  	[spmem:s9], [sflag:s15] =	dma.local [hbm:s10], $0x1480  }
0x23: {  	_ =	swait.ge [sflag:s19], $0x1480  }
0x24: {  	[sflag:s19] =	ssyncset.done $0x0  }
0x25: {  	[sflag:s19] =	ssyncadd.s32 $0xFFFFEB80  }
0x26: {  	[bflag:$0x0] =	sbarrier.arrive $0xFFFF  }
0x27: {  	s14 =	rddreg [dreg:$0xa]  }
0x28: {  	[tilespmem:s20], [sflag:$0x1] =	stream.linear.gather [hbm4b:s14+s5], $0x3800, $0x38;
	[tilespmem:$0x18600] =	vst v63  }
0x29: {  	s18 =	smov.u32 s15;
	s15 =	rddreg [dreg:$0xb]  }
0x2a: {  	[tilespmem:s21], [sflag:$0x1] =	stream.linear.gather [hbm4b:s15+s5], $0x3800, $0x38;
	[tilespmem:$0x18600] =	vst v63  }
0x2b: {  	s16 =	rddreg [dreg:$0xc]  }
0x2c: {  	[tilespmem:s22], [sflag:$0x1] =	stream.linear.gather [hbm4b:s16+s5], $0x70, $0x38;
	[tilespmem:$0x18600] =	vst v63  }
0x2d: {  	s17 =	rddreg [dreg:$0xd]  }
0x2e: {  	[tilespmem:s23], [sflag:$0x1] =	stream.linear.gather [hbm4b:s17+s5], $0x70, $0x38;
	[tilespmem:$0x18600] =	vst v63  }
0x2f: {  	_ =	swait.ge [sflag:s24], $0x3800  }
0x30: {  	[sflag:s24] =	ssyncset.done $0x0  }
0x31: {  	[sflag:s24] =	ssyncadd.s32 $0xFFFFC800  }
0x32: {  	_ =	swait.ge [sflag:s24], $0x3800  }
0x33: {  	[sflag:s24] =	ssyncset.done $0x0  }
0x34: {  	[sflag:s24] =	ssyncadd.s32 $0xFFFFC800  }
0x35: {  	_ =	swait.ge [sflag:s24], $0x70  }
0x36: {  	[sflag:s24] =	ssyncset.done $0x0  }
0x37: {  	[sflag:s24] =	ssyncadd.s32 $0xFFFFFF90  }
0x38: {  	_ =	swait.ge [sflag:s24], $0x70  }
0x39: {  	p0 =	por $0x1, $0x1;
	[sflag:s24] =	ssyncset.done $0x0  }
0x3a: {  	s11 =	simm.s32 @!p0 $0x4;
	[sflag:s24] =	ssyncadd.s32 $0xFFFFFF90  }
0x3b: {  	_ =	swait.ge @!p0 [sflag:s11], $0x3800  }
0x3c: {  	[sflag:s11] =	ssyncset.done @!p0 $0x0  }
0x3d: {  	[sflag:s11] =	ssyncadd.s32 @!p0 $0xFFFFC800  }
0x3e: {  	_ =	swait.ge @!p0 [sflag:s11], $0x3800  }
0x3f: {  	s12 =	rddreg [dreg:$0x6];
	[sflag:s11] =	ssyncset.done @!p0 $0x0  }
0x40: {  	s13 =	rddreg [dreg:$0x7];
	[sflag:s11] =	ssyncadd.s32 @!p0 $0xFFFFC800;
	s10 =	sadd.s32 $0x0, s12  }
0x41: {  	[tilespmem:s25], [sflag:$0x2] =	stream.linear.gather [hbm4b:s10+s5], $0x3800, $0x38;
	[tilespmem:$0x18600] =	vst v63  }
0x42: {  	s12 =	sadd.s32 $0x0, s13  }
0x43: {  	[tilespmem:s26], [sflag:$0x2] =	stream.linear.gather [hbm4b:s12+s5], $0x3800, $0x38;
	[tilespmem:$0x18600] =	vst v63  }
0x44: {  	s14 =	rddreg [dreg:$0x11]  }
0x45: {  	[tilespmem:s28], [sflag:$0x2] =	stream.linear.gather [hbm4b:s14+s5], $0x70, $0x38;
	[tilespmem:$0x18600] =	vst v63  }
0x46: {  	s10 =	rddreg [dreg:$0x10]  }
0x47: {  	[tilespmem:s29], [sflag:$0x2] =	stream.linear.gather [hbm4b:s10+s5], $0x70, $0x38;
	[tilespmem:$0x18600] =	vst v63  }
0x48: {  	_ = 	snop  }
0x49: {  	[spmem:s4] =	stream.indirect.scatter.add.f32 [tilespmem:s20], [sflag:$0x3], $0x80, s22, s30, $0xb8;
	[tilespmem:$0x18600] =	vst v63  }
0x4a: {  	_ = 	snop  }
0x4b: {  	[spmem:s4] =	stream.indirect.scatter.add.f32 [tilespmem:s21], [sflag:$0x3], $0x80, s23, s30, $0xb8;
	[tilespmem:$0x18600] =	vst v63  }
0x4c: {  	_ =	swait.ge [sflag:s31], $0x3800  }
0x4d: {  	[sflag:s31] =	ssyncset.done $0x0  }
0x4e: {  	[sflag:s31] =	ssyncadd.s32 $0xFFFFC800  }
0x4f: {  	_ =	swait.ge [sflag:s31], $0x3800  }
0x50: {  	[sflag:s31] =	ssyncset.done $0x0  }
0x51: {  	[sflag:s31] =	ssyncadd.s32 $0xFFFFC800  }
0x52: {  	_ =	swait.ge [sflag:s31], $0x70  }
0x53: {  	[sflag:s31] =	ssyncset.done $0x0  }
0x54: {  	[sflag:s31] =	ssyncadd.s32 $0xFFFFFF90  }
0x55: {  	_ =	swait.ge [sflag:s31], $0x70  }
0x56: {  	[sflag:s31] =	ssyncset.done $0x0  }
0x57: {  	[sflag:s31] =	ssyncadd.s32 $0xFFFFFF90  }
0x58: {  	_ =	swait.ge [sflag:s0], $0x3800  }
0x59: {  	[sflag:s0] =	ssyncset.done $0x0  }
0x5a: {  	s13 =	smin.u32 s5, $0xB;
	[sflag:s0] =	ssyncadd.s32 $0xFFFFC800  }
0x5b: {  	s11 =	smul.u32 $0x70, s13;
	_ =	swait.ge [sflag:s0], $0x3800  }
0x5c: {  	s15 =	rddreg [dreg:$0x5]  }
0x5d: {  	s11 =	sadd.s32 s11, s15  }
0x5e: {  	[sflag:s0] =	ssyncset.done $0x0;
	s12 =	sshll.u32 s11, $0x4  }
0x5f: {  	[sflag:s0] =	ssyncadd.s32 $0xFFFFC800;
	s11 =	sshrl.u32 s11, $0x3;
	s16 =	sadd.s32 s6, s12  }
0x60: {  	[tilespmem:s20], [sflag:$0x1] =	stream.linear.gather [hbm4b:s16+s5], $0x3800, $0x38;
	[tilespmem:$0x18600] =	vst v63  }
0x61: {  	s11 =	sadd.s32 $0x1880, s11;
	s12 =	sadd.s32 s7, s12  }
0x62: {  	[tilespmem:s21], [sflag:$0x1] =	stream.linear.gather [hbm4b:s12+s5], $0x3800, $0x38;
	[tilespmem:$0x18600] =	vst v63  }
0x63: {  	s17 =	sadd.s32 s2, s11  }
0x64: {  	[tilespmem:s22], [sflag:$0x1] =	stream.linear.gather [hbm4b:s17+s5], $0x70, $0x38;
	[tilespmem:$0x18600] =	vst v63  }
0x65: {  	s13 =	sadd.s32 $0x1C, s10;
	s11 =	sadd.s32 s3, s11  }
0x66: {  	[tilespmem:s23], [sflag:$0x1] =	stream.linear.gather [hbm4b:s11+s5], $0x70, $0x38;
	[tilespmem:$0x18600] =	vst v63  }
0x67: {  	s14 =	sadd.s32 $0x1C, s14;
	s12 =	simm.s32 $0x2;
	s11 =	simm.s32 $0xE00  }
0x68: {  	[spmem:s4] =	stream.indirect.scatter.add.f32 [tilespmem:s25], [sflag:$0x4], $0x80, s28, s30, $0xb8;
	[tilespmem:$0x18600] =	vst v63  }
.LBB2_2:
0x69: {  	[spmem:s4] =	stream.indirect.scatter.add.f32 [tilespmem:s26], [sflag:$0x4], $0x80, s29, s30, $0xb8;
	[tilespmem:$0x18600] =	vst v63  }
0x6a: {  	_ =	swait.ge [sflag:s24], $0x3800  }
0x6b: {  	[sflag:s24] =	ssyncset.done $0x0  }
0x6c: {  	[sflag:s24] =	ssyncadd.s32 $0xFFFFC800  }
0x6d: {  	_ =	swait.ge [sflag:s24], $0x3800  }
0x6e: {  	[sflag:s24] =	ssyncset.done $0x0  }
0x6f: {  	[sflag:s24] =	ssyncadd.s32 $0xFFFFC800  }
0x70: {  	_ =	swait.ge [sflag:s24], $0x70  }
0x71: {  	[sflag:s24] =	ssyncset.done $0x0  }
0x72: {  	[sflag:s24] =	ssyncadd.s32 $0xFFFFFF90  }
0x73: {  	s15 =	smov.u32 s11;
	_ =	swait.ge [sflag:s24], $0x70  }
0x74: {  	p1 =	seq.s32 s15, $0x0;
	[sflag:s24] =	ssyncset.done $0x0  }
0x75: {  	s16 =	simm.s32 @!p1 $0x4;
	[sflag:s24] =	ssyncadd.s32 $0xFFFFFF90  }
0x76: {  	_ =	swait.ge @!p1 [sflag:s16], $0x3800  }
0x77: {  	[sflag:s16] =	ssyncset.done @!p1 $0x0  }
0x78: {  	[sflag:s16] =	ssyncadd.s32 @!p1 $0xFFFFC800  }
0x79: {  	_ =	swait.ge @!p1 [sflag:s16], $0x3800  }
0x7a: {  	s10 =	rddreg [dreg:$0x6];
	[sflag:s16] =	ssyncset.done @!p1 $0x0  }
0x7b: {  	s17 =	rddreg [dreg:$0x7];
	[sflag:s16] =	ssyncadd.s32 @!p1 $0xFFFFC800;
	s10 =	sadd.s32 s15, s10  }
0x7c: {  	[tilespmem:s25], [sflag:$0x2] =	stream.linear.gather [hbm4b:s10+s5], $0x3800, $0x38;
	[tilespmem:$0x18600] =	vst v63  }
0x7d: {  	s17 =	sadd.s32 s15, s17  }
0x7e: {  	[tilespmem:s26], [sflag:$0x2] =	stream.linear.gather [hbm4b:s17+s5], $0x3800, $0x38;
	[tilespmem:$0x18600] =	vst v63  }
0x7f: {  	_ = 	snop  }
0x80: {  	[tilespmem:s28], [sflag:$0x2] =	stream.linear.gather [hbm4b:s14+s5], $0x70, $0x38;
	[tilespmem:$0x18600] =	vst v63  }
0x81: {  	_ = 	snop  }
0x82: {  	[tilespmem:s29], [sflag:$0x2] =	stream.linear.gather [hbm4b:s13+s5], $0x70, $0x38;
	[tilespmem:$0x18600] =	vst v63  }
0x83: {  	_ = 	snop  }
0x84: {  	[spmem:s4] =	stream.indirect.scatter.add.f32 [tilespmem:s20], [sflag:$0x3], $0x80, s22, s30, $0xb8;
	[tilespmem:$0x18600] =	vst v63  }
0x85: {  	_ = 	snop  }
0x86: {  	[spmem:s4] =	stream.indirect.scatter.add.f32 [tilespmem:s21], [sflag:$0x3], $0x80, s23, s30, $0xb8;
	[tilespmem:$0x18600] =	vst v63  }
0x87: {  	_ =	swait.ge [sflag:s31], $0x3800  }
0x88: {  	[sflag:s31] =	ssyncset.done $0x0  }
0x89: {  	[sflag:s31] =	ssyncadd.s32 $0xFFFFC800  }
0x8a: {  	_ =	swait.ge [sflag:s31], $0x3800  }
0x8b: {  	[sflag:s31] =	ssyncset.done $0x0  }
0x8c: {  	[sflag:s31] =	ssyncadd.s32 $0xFFFFC800  }
0x8d: {  	_ =	swait.ge [sflag:s31], $0x70  }
0x8e: {  	[sflag:s31] =	ssyncset.done $0x0  }
0x8f: {  	[sflag:s31] =	ssyncadd.s32 $0xFFFFFF90  }
0x90: {  	_ =	swait.ge [sflag:s31], $0x70  }
0x91: {  	[sflag:s31] =	ssyncset.done $0x0  }
0x92: {  	[sflag:s31] =	ssyncadd.s32 $0xFFFFFF90  }
0x93: {  	_ =	swait.ge [sflag:s0], $0x3800  }
0x94: {  	[sflag:s0] =	ssyncset.done $0x0  }
0x95: {  	s15 =	smin.u32 s12, $0xB;
	[sflag:s0] =	ssyncadd.s32 $0xFFFFC800  }
0x96: {  	s10 =	smul.u32 $0x70, s15;
	_ =	swait.ge [sflag:s0], $0x3800  }
0x97: {  	s16 =	rddreg [dreg:$0x5]  }
0x98: {  	s10 =	sadd.s32 s10, s16  }
0x99: {  	[sflag:s0] =	ssyncset.done $0x0;
	s15 =	sshll.u32 s10, $0x4  }
0x9a: {  	[sflag:s0] =	ssyncadd.s32 $0xFFFFC800;
	s10 =	sshrl.u32 s10, $0x3;
	s17 =	sadd.s32 s6, s15  }
0x9b: {  	[tilespmem:s20], [sflag:$0x1] =	stream.linear.gather [hbm4b:s17+s5], $0x3800, $0x38;
	[tilespmem:$0x18600] =	vst v63  }
0x9c: {  	s11 =	sadd.s32 $0xE00, s11;
	s10 =	sadd.s32 $0x1880, s10;
	s15 =	sadd.s32 s7, s15  }
0x9d: {  	[tilespmem:s21], [sflag:$0x1] =	stream.linear.gather [hbm4b:s15+s5], $0x3800, $0x38;
	[tilespmem:$0x18600] =	vst v63  }
0x9e: {  	p0 =	sne.s32 s11, $0x6200;
	s17 =	sadd.s32 s2, s10  }
0x9f: {  	[tilespmem:s22], [sflag:$0x1] =	stream.linear.gather [hbm4b:s17+s5], $0x70, $0x38;
	[tilespmem:$0x18600] =	vst v63  }
.Ltmp0:
0xa0: {  	_ = 	snop;
	(pc) =	sbr.rel @p0 .LBB2_2-.Ltmp0, $4  }
0xa1: {  	s10 =	sadd.s32 s3, s10  }
0xa2: {  	[tilespmem:s23], [sflag:$0x1] =	stream.linear.gather [hbm4b:s10+s5], $0x70, $0x38;
	[tilespmem:$0x18600] =	vst v63  }
0xa3: {  	s12 =	sadd.s32 $0x2, s12;
	s14 =	sadd.s32 $0x1C, s14;
	s13 =	sadd.s32 $0x1C, s13  }
0xa4: {  	[spmem:s4] =	stream.indirect.scatter.add.f32 [tilespmem:s25], [sflag:$0x4], $0x80, s28, s30, $0xb8;
	[tilespmem:$0x18600] =	vst v63  }
0xa5: {  	[spmem:s4] =	stream.indirect.scatter.add.f32 [tilespmem:s26], [sflag:$0x4], $0x80, s29, s30, $0xb8;
	[tilespmem:$0x18600] =	vst v63  }
0xa6: {  	_ =	swait.ge [sflag:s24], $0x3800  }
0xa7: {  	[sflag:s24] =	ssyncset.done $0x0  }
0xa8: {  	[sflag:s24] =	ssyncadd.s32 $0xFFFFC800  }
0xa9: {  	_ =	swait.ge [sflag:s24], $0x3800  }
0xaa: {  	[sflag:s24] =	ssyncset.done $0x0  }
0xab: {  	[sflag:s24] =	ssyncadd.s32 $0xFFFFC800  }
0xac: {  	_ =	swait.ge [sflag:s24], $0x70  }
0xad: {  	[sflag:s24] =	ssyncset.done $0x0  }
0xae: {  	[sflag:s24] =	ssyncadd.s32 $0xFFFFFF90  }
0xaf: {  	_ =	swait.ge [sflag:s24], $0x70  }
0xb0: {  	[sflag:s24] =	ssyncset.done $0x0  }
0xb1: {  	[sflag:s24] =	ssyncadd.s32 $0xFFFFFF90  }
0xb2: {  	_ =	swait.ge [sflag:s1], $0x3800  }
0xb3: {  	[sflag:s1] =	ssyncset.done $0x0  }
0xb4: {  	[sflag:s1] =	ssyncadd.s32 $0xFFFFC800  }
0xb5: {  	_ =	swait.ge [sflag:s1], $0x3800  }
0xb6: {  	[sflag:s1] =	ssyncset.done $0x0  }
0xb7: {  	[sflag:s1] =	ssyncadd.s32 $0xFFFFC800  }
0xb8: {  	[bflag:$0x0] =	sbarrier.arrive $0xFFFF  }
0xb9: {  	s10 =	rddreg [dreg:$0xe]  }
0xba: {  	[hbm:s10], [sflag:s18] =	dma.local [spmem:s9], $0x1480  }
0xbb: {  	_ =	swait.ge [sflag:s19], $0x1480  }
0xbc: {  	s15 =	smov.u32 s18;
	s8 =	sadd.s32 $0x1, s8;
	s18 =	rddreg [dreg:$0xf]  }
0xbd: {  	p0 =	sne.s32 s8, s18  }
.Ltmp1:
0xbe: {  	_ = 	snop;
	(pc) =	sbr.rel @p0 .LBB2_1-.Ltmp1, $3  }
0xbf: {  	_ =	sdelay $0x1  }
0xc0: {  	[sflag:s19] =	ssyncset.done $0x0  }
0xc1: {  	[sflag:s19] =	ssyncadd.s32 $0xFFFFEB80  }
0xc2: {  	_ =	sfence.sel $0x180000  }
0xc3: {  	[bflag:$0x0] =	sbarrier.arrive $0xFFFF  }
0xc4: {  	_ =	strace $0x90000047  }
0xc5: {  	s0 =	stileid.u32;
	[bflag:$0x2] =	sbarrier.arrive $0xFFFF  }
0xc6: {  	p0 =	sne.s32 s0, $0x0;
	s0 =	rddreg [dreg:$0x4]  }
0xc7: {  	s0 =	sadd.s32 @!p0 $0x100000, s0  }
0xc8: {  	[sflag:s0] =	ssyncadd.tile.s32 @!p0 $0x1;
	_ =	shalt  }
.Lfunc_end2:
_tile_overlayer_lowered:
.L_overlay_start_2:
0xc9: {  	(tag) =	ssettag $0x2  }
0xca: {  	s0 =	rddreg [dreg:$0x0];
	s2 =	stileid.u32  }
0xcb: {  	s1 =	rddreg [dreg:$0x1];
	p0 =	sne.s32 s2, $0x0  }
0xcc: {  	s3 =	rddreg [dreg:$0x2];
	[bflag:$0x3] =	sbarrier.arrive $0xFFFF;
	s2 =	simm.s32 @!p0 $0x1C05  }
0xcd: {  	[timem:s3], [sflag:s2] =	dma.local @!p0 [hbm:s0], s1  }
0xce: {  	s0 =	simm.s32 @!p0 $0x5  }
0xcf: {  	_ =	swait.ge @!p0 [sflag:s0], s1  }
0xd0: {  	s1 =	ssub.s32 @!p0 $0x0, s1;
	[sflag:s0] =	ssyncset.done @!p0 $0x0  }
0xd1: {  	[sflag:s0] =	ssyncadd.s32 @!p0 s1  }
0xd2: {  	[bflag:$0x3] =	sbarrier.arrive $0xFFFF  }
0xd3: {  	_ =	shalt  }

// kernel: kernel.7.cloned.1.call-start
scs
__scs_entry_jumppad:
0x0: {  	(pc) =	sbr.rel $0x88, $3  }
0x1: {  	(tag) =	ssettag $0x0;
	lr =	simm.s32 $0x1  }
0x2: {  	[smem:$0x3F94] =	sst lr;
	_ =	strace $0xD0000000  }
0x3: {  	_ = 	snop  }
0x4: {  	_ = 	snop  }
0x5: {  	_ = 	snop  }
0x6: {  	_ = 	snop  }
0x7: {  	_ = 	snop  }
__scs_overlays_trampoline_lowered:
0x8: {  	[smem:$0x3FA3] =	sst s0  }
0x9: {  	[smem:$0x3FA4] =	sst s1  }
0xa: {  	[smem:$0x3FA5] =	sst s2  }
0xb: {  	[smem:$0x3FA6] =	sst s3  }
0xc: {  	[smem:$0x3FA7] =	sst s4  }
0xd: {  	[smem:$0x3FA8] =	sst s5  }
0xe: {  	[smem:$0x3FA9] =	sst s6  }
0xf: {  	[smem:$0x3FAA] =	sst s7  }
0x10: {  	[smem:$0x3FAB] =	sst s8  }
0x11: {  	[smem:$0x3FAC] =	sst s9;
	s0 =	simm.s32 @!p0 $0x0  }
0x12: {  	s1 =	sld [smem:$0x3F92];
	s0 =	simm.s32 @p0 $0x1  }
0x13: {  	[smem:$0x3FAD] =	sst s0;
	s0 =	simm.s32 @!p1 $0x0  }
0x14: {  	s2 =	sld [smem:$0x3F91];
	s0 =	simm.s32 @p1 $0x1  }
0x15: {  	[smem:$0x3FAE] =	sst s0;
	s0 =	simm.s32 @!p2 $0x0  }
0x16: {  	s3 =	sld [smem:$0x3FDB];
	s0 =	simm.s32 @p2 $0x1  }
0x17: {  	s4 =	simm.s32 $0x1BF5;
	[smem:$0x3FB0] =	sst s0  }
0x18: {  	s0 =	sld [smem:$0x3F93];
	_ =	swait.ge [sflag:s4], $0x0  }
0x19: {  	s7 =	sld [smem:$0x3F94]  }
0x1a: {  	s8 =	sadd.s32 $0xFFFFE003, lr  }
0x1b: {  	s9 =	sadd.s32 $0xFFFFFEF7, lr;
	s5 =	simm.s32 $0xFFFFFFFF;
	p2 =	slt.u32 s8, $0xFFFFF086  }
0x1c: {  	p1 =	slt.u32 s9, $0xF7A;
	s5 =	simm.s32 @!p2 $0x0  }
0x1d: {  	s5 =	simm.s32 @p1 $0x1;
	p0 =	seq.s32 s7, s2  }
0x1e: {  	s7 =	smul.u32 @!p0 $0xF7A, s2;
	p2 =	seq.s32 @!p0 s5, $0x0  }
0x1f: {  	s9 =	smul.u32 $0xF7A, s1;
	s8 =	simm.s32 @!p0 $0x1BF5;
	p2 =	por !p2, p0  }
0x20: {  	[sflag:s8] =	ssyncset.s32 @!p0 $0xFFFFF086;
	s6 =	sadd.s32 @!p0 s3, s7;
	s7 =	simm.s32 @!p0 $0x108  }
0x21: {  	s3 =	sadd.s32 s3, s9;
	s6 =	sadd.s32 @!p0 $0x88, s6;
	s7 =	simm.s32 @p2 $0x1082  }
0x22: {  	[simem:s7], [sflag:s8] =	dma.local @!p0 [hbm:s6], $0xF7A  }
0x23: {  	s9 =	sor.u32 $0xD0000000, s2;
	s6 =	simm.s32 $0x108;
	_ =	swait.ge @!p0 [sflag:s8], $0x0  }
0x24: {  	s3 =	sadd.s32 $0x88, s3;
	s6 =	simm.s32 @!p1 $0x1082;
	[sflag:s4] =	ssyncset.s32 $0xFFFFF086  }
0x25: {  	[simem:s6], [sflag:s4] =	dma.local [hbm:s3], $0xF7A  }
0x26: {  	[smem:$0x3F94] =	sst s1;
	(tag) =	ssettag s2;
	_ =	strace s9  }
0x27: {  	s1 =	sld [smem:$0x3FA4]  }
0x28: {  	s2 =	sld [smem:$0x3FA5]  }
0x29: {  	s4 =	sld [smem:$0x3FA7]  }
0x2a: {  	p0 =	seq.s32 s5, $0x0;
	s5 =	sld [smem:$0x3FA8]  }
0x2b: {  	s6 =	sld [smem:$0x3FA9]  }
0x2c: {  	s7 =	sld [smem:$0x3FAA]  }
0x2d: {  	s3 =	simm.s32 $0x108;
	s8 =	sld [smem:$0x3FAB]  }
0x2e: {  	s3 =	simm.s32 @!p0 $0x1082;
	s9 =	sld [smem:$0x3FAC]  }
0x2f: {  	lr =	sadd.s32 s0, s3;
	s0 =	sld [smem:$0x3FA3]  }
0x30: {  	s3 =	sld [smem:$0x3FA6]  }
0x31: {  	[smem:$0x3FAF] =	sst s10  }
0x32: {  	s10 =	sld [smem:$0x3FAD];
	_ =	sdelay $0x3  }
0x33: {  	p0 =	seq.s32 s10, $0x1;
	s10 =	sld [smem:$0x3FAF];
	_ =	sdelay $0x3  }
0x34: {  	[smem:$0x3FAF] =	sst s10  }
0x35: {  	s10 =	sld [smem:$0x3FAE];
	_ =	sdelay $0x3  }
0x36: {  	p1 =	seq.s32 s10, $0x1;
	s10 =	sld [smem:$0x3FAF];
	_ =	sdelay $0x3  }
0x37: {  	[smem:$0x3FAF] =	sst s10  }
0x38: {  	s10 =	sld [smem:$0x3FB0]  }
0x39: {  	_ = 	snop;
	(pc) =	sbr.ind lr, $3  }
0x3a: {  	_ = 	snop  }
0x3b: {  	_ = 	snop  }
0x3c: {  	p2 =	seq.s32 s10, $0x1;
	s10 =	sld [smem:$0x3FAF]  }
0x3d: {  	_ =	shalt  }
0x3e: {  	_ =	shalt  }
0x3f: {  	_ =	shalt  }
0x40: {  	_ =	shalt  }
0x41: {  	_ =	shalt  }
0x42: {  	_ =	shalt  }
0x43: {  	_ =	shalt  }
0x44: {  	_ =	shalt  }
0x45: {  	_ =	shalt  }
0x46: {  	_ =	shalt  }
0x47: {  	_ =	shalt  }
0x48: {  	_ =	shalt  }
0x49: {  	_ =	shalt  }
0x4a: {  	_ =	shalt  }
0x4b: {  	_ =	shalt  }
0x4c: {  	_ =	shalt  }
0x4d: {  	_ =	shalt  }
0x4e: {  	_ =	shalt  }
0x4f: {  	_ =	shalt  }
0x50: {  	_ =	shalt  }
0x51: {  	_ =	shalt  }
0x52: {  	_ =	shalt  }
0x53: {  	_ =	shalt  }
0x54: {  	_ =	shalt  }
0x55: {  	_ =	shalt  }
0x56: {  	_ =	shalt  }
0x57: {  	_ =	shalt  }
0x58: {  	_ =	shalt  }
0x59: {  	_ =	shalt  }
0x5a: {  	_ =	shalt  }
0x5b: {  	_ =	shalt  }
0x5c: {  	_ =	shalt  }
0x5d: {  	_ =	shalt  }
0x5e: {  	_ =	shalt  }
0x5f: {  	_ =	shalt  }
0x60: {  	_ =	shalt  }
0x61: {  	_ =	shalt  }
0x62: {  	_ =	shalt  }
0x63: {  	_ =	shalt  }
0x64: {  	_ =	shalt  }
0x65: {  	_ =	shalt  }
0x66: {  	_ =	shalt  }
0x67: {  	_ =	shalt  }
0x68: {  	_ =	shalt  }
0x69: {  	_ =	shalt  }
0x6a: {  	_ =	shalt  }
0x6b: {  	_ =	shalt  }
0x6c: {  	_ =	shalt  }
0x6d: {  	_ =	shalt  }
0x6e: {  	_ =	shalt  }
0x6f: {  	_ =	shalt  }
0x70: {  	_ =	shalt  }
0x71: {  	_ =	shalt  }
0x72: {  	_ =	shalt  }
0x73: {  	_ =	shalt  }
0x74: {  	_ =	shalt  }
0x75: {  	_ =	shalt  }
0x76: {  	_ =	shalt  }
0x77: {  	_ =	shalt  }
0x78: {  	_ =	shalt  }
0x79: {  	_ =	shalt  }
0x7a: {  	_ =	shalt  }
0x7b: {  	_ =	shalt  }
0x7c: {  	_ =	shalt  }
0x7d: {  	_ =	shalt  }
0x7e: {  	_ =	shalt  }
0x7f: {  	_ =	shalt  }
0x80: {  	_ =	shalt  }
0x81: {  	_ =	shalt  }
0x82: {  	_ =	shalt  }
0x83: {  	_ =	shalt  }
0x84: {  	_ =	shalt  }
0x85: {  	_ =	shalt  }
0x86: {  	_ =	shalt  }
0x87: {  	_ =	shalt  }
.Lfunc_end0:
.L_simem_size_0:
called_computation_lowered:
.L_overlay_start_0:
0x88: {  	s2 =	sld [smem:$0x3FD9]  }
0x89: {  	s3 =	sld [smem:$0x3FFE];
	_ =	sdelay $0x1  }
0x8a: {  	s1 =	srdreg.scid  }
0x8b: {  	s0 =	sand.u32 $0x1, s1  }
0x8c: {  	s15 =	sshll.u32 s0, $0xA;
	s2 =	sadd.s32 s3, s2  }
0x8d: {  	s2 =	sadd.s32 s2, s15  }
0x8e: {  	[smem:$0x3FBB] =	sst s2  }
0x8f: {  	_ = 	snop  }
0x90: {  	s2 =	sld [smem:$0x3FD0];
	_ =	sdelay $0x2  }
0x91: {  	s4 =	simm.s32 $0xB;
	s16 =	simm.s32 $0x10  }
0x92: {  	[smem:s16], [sflag:s4] =	dma.local [hbm:s2], $0x1  }
0x93: {  	_ =	swait.eq [sflag:s4], $0x1  }
0x94: {  	[sflag:s4] =	ssyncset.done $0x0  }
0x95: {  	s17 =	sld [smem:$0x10];
	[sflag:s4] =	ssyncadd.s32 $0xFFFFFFFF  }
0x96: {  	s18 =	sld [smem:$0x11];
	(tm) =	ssettm $0x1  }
0x97: {  	s19 =	sld [smem:$0x3FFB];
	_ =	sdelay $0x3  }
0x98: {  	_ =	strace s19  }
0x99: {  	s2 =	sld [smem:$0x3FFC];
	_ =	sdelay $0x3  }
0x9a: {  	_ =	strace s2  }
0x9b: {  	s2 =	sld [smem:$0x3FFD];
	_ =	sdelay $0x3  }
0x9c: {  	_ =	strace s2  }
0x9d: {  	_ =	strace $0x8FFFFFFF  }
0x9e: {  	s20 =	sld [smem:$0x3FDB];
	_ =	sdelay $0x1  }
0x9f: {  	s5 =	simm.s32 $_scs_section_size  }
0xa0: {  	s6 =	simm.s32 $_size__tile_overlayer_lowered;
	s7 =	simm.s32 $_tile_overlayer_lowered  }
0xa1: {  	s8 =	simm.s32 $0x1BFF;
	s21 =	sshll.u32 s7, $0x1;
	s5 =	sadd.s32 s5, s20  }
0xa2: {  	s22 =	simm.s32 $0x0;
	s6 =	sshll.u32 s6, $0x1;
	s7 =	sadd.s32 s21, s5  }
0xa3: {  	[timem:s22], [sflag:s8] =	dma.local [hbm:s7], s6  }
0xa4: {  	_ =	swait.ge [sflag:s8], s6  }
0xa5: {  	s6 =	ssub.s32 $0x0, s6;
	[sflag:s8] =	ssyncset.done $0x0  }
0xa6: {  	[sflag:s8] =	ssyncadd.s32 s6;
	_ =	sdelay $0x1  }
0xa7: {  	s23 =	simm.s32 $0x1B8B  }
0xa8: {  	_ =	swait.ge [sflag:s23], $0x1  }
0xa9: {  	[sflag:s23] =	ssyncset.done $0x0  }
0xaa: {  	[sflag:s23] =	ssyncadd.s32 $0xFFFFFFFF  }
0xab: {  	s6 =	sld [smem:$0x0]  }
0xac: {  	s7 =	sand.u32 $0xFFFFFFFE, s1  }
0xad: {  	p0 =	sne.s32 s1, s7  }
0xae: {  	s7 =	sshll.u32 @p0 s7, $0xE  }
0xaf: {  	s7 =	sadd.s32 @p0 $0x11B8D, s7;
	s8 =	sshll.u32 @p0 s6, $0x11  }
0xb0: {  	s7 =	sor.u32 @p0 s8, s7  }
0xb1: {  	[sflag:s7] =	ssyncadd.remote.s32 @p0 $0x1;
	_ =	sdelay $0x1  }
0xb2: {  	s7 =	simm.s32 @p0 $0x1B8D  }
0xb3: {  	_ =	swait.eq @p0 [sflag:s7], $0x1  }
0xb4: {  	[sflag:s7] =	ssyncadd.s32 @p0 $0xFFFFFFFF  }
0xb5: {  	s8 =	sshll.u32 @!p0 s1, $0xE  }
0xb6: {  	s8 =	sor.u32 @!p0 $0x4000, s8;
	s7 =	simm.s32 @!p0 $0x1B8D  }
0xb7: {  	s6 =	sshll.u32 @!p0 s6, $0x11;
	s8 =	sadd.s32 @!p0 $0x11B8D, s8;
	_ =	swait.eq @!p0 [sflag:s7], $0x1  }
0xb8: {  	s6 =	sor.u32 @!p0 s6, s8;
	[sflag:s7] =	ssyncadd.s32 @!p0 $0xFFFFFFFF  }
0xb9: {  	s25 =	simm.s32 $0x1B8E;
	s24 =	sld [smem:$0x3FFE];
	[sflag:s6] =	ssyncadd.remote.s32 @!p0 $0x1  }
0xba: {  	s26 =	simm.s32 $execute0_lowered;
	[smem:$0x3FD2] =	sst s25  }
0xbb: {  	s7 =	sshll.u32 s26, $0x1;
	_ =	strace $0x80000049;
	[dreg:$0x1] =	wrdreg $0xFFFFFFFF  }
0xbc: {  	s28 =	simm.s32 $_size_execute0_lowered;
	s5 =	sadd.s32 s5, s7;
	[dreg:$0x0] =	wrdreg $0x0  }
0xbd: {  	s7 =	sshll.u32 s28, $0x1;
	[dreg:$0x2] =	wrdreg s5  }
0xbe: {  	[dreg:$0x3] =	wrdreg s7  }
0xbf: {  	[dreg:$0x4] =	wrdreg $0xC0  }
0xc0: {  	_ =	task [dreg:s22], $0x5FFFF  }
0xc1: {  	[dreg:$0x1] =	wrdreg $0xFFFFFFFF  }
0xc2: {  	[dreg:$0x0] =	wrdreg $0x60  }
0xc3: {  	[dreg:$0x2] =	wrdreg s24  }
0xc4: {  	[dreg:$0x3] =	wrdreg s18  }
0xc5: {  	[dreg:$0x4] =	wrdreg s17  }
0xc6: {  	[dreg:$0x5] =	wrdreg $0x0  }
0xc7: {  	[dreg:$0x6] =	wrdreg $0x9  }
0xc8: {  	_ =	task.clear_ibuf [dreg:s22], $0x7FFFF;
	_ =	strace $0x90000049  }
0xc9: {  	s29 =	simm.s32 $0x9;
	_ =	strace $0x8000004B  }
0xca: {  	_ =	swait.ge [sflag:s29], $0x1  }
0xcb: {  	[sflag:s29] =	ssyncadd.s32 $0xFFFFFFFF  }
0xcc: {  	_ =	strace $0x9000004B  }
0xcd: {  	_ =	sfence  }
0xce: {  	s30 =	sld [smem:$0x0];
	_ =	sdelay $0x2  }
0xcf: {  	s31 =	sshll.u32 s1, $0xD;
	s1 =	sshrl.u32 s1, $0x2  }
0xd0: {  	s4 =	sand.u32 $0x4000, s31;
	s1 =	sadd.s32 s1, s30  }
0xd1: {  	s0 =	sor.u32 s4, s0;
	s1 =	sshll.u32 s1, $0x11  }
0xd2: {  	s0 =	sor.u32 s1, s0  }
0xd3: {  	s0 =	sadd.s32 $0x8F2B, s0  }
0xd4: {  	[sflag:s0] =	ssyncadd.remote.s32 $0x1  }
0xd5: {  	_ =	sfence.sel $0xFFFF  }
0xd6: {  	[dreg:$0x0] =	wrdreg $0xFFFFFFFF;
	(pc) =	sbr.abs _section_cstart, $3  }
0xd7: {  	[dreg:$0x1] =	wrdreg $0xFFFFFFFF  }
0xd8: {  	_ =	task.clear_ibuf [dreg:s22], $0x2FFFF;
	_ =	strace $0x9FFFFFFF  }
0xd9: {  	(tm) =	ssettm $0x7FFFFFFF  }
tec
execute0_lowered:
.L_overlay_start_1:
0x0: {  	(tag) =	ssettag $0x1  }
0x1: {  	s0 =	rddreg [dreg:$0x0]  }
0x2: {  	s2 =	rddreg [dreg:$0x1]  }
0x3: {  	s3 =	rddreg [dreg:$0x2]  }
0x4: {  	s4 =	rddreg [dreg:$0x3];
	s14 =	stileid.u32  }
0x5: {  	s1 =	srdreg.scid;
	s5 =	simm.s32 $0x0;
	s28 =	simm.s32 $0x18480  }
0x6: {  	s29 =	simm.s32 $0x18580;
	s30 =	simm.s32 $0x70;
	s8 =	smul.u32 $0xA400, s14  }
0x7: {  	s31 =	simm.s32 $0x2;
	s1 =	sand.u32 $0x1, s1;
	s21 =	smul.u32 $0x29000, s14  }
0x8: {  	[smem:$0x7FF] =	sst s5;
	s6 =	sadd.s32 $0x1C7600, s0;
	s13 =	smul.u32 $0x6200, s14  }
0x9: {  	s7 =	sadd.s32 $0x28B600, s0;
	s24 =	sshll.u32 s14, $0x6;
	s9 =	smul.u32 $0xA4000, s1  }
0xa: {  	_ =	strace $0x8000004A;
	s22 =	ssub.s32 $0x2, s1;
	s26 =	smul.u32 $0x62000, s1  }
0xb: {  	s11 =	sshll.u32 s1, $0x4;
	s15 =	sor.u32 $0x1C05, s24;
	s1 =	smul.u32 $0x6200, s1  }
0xc: {  	s10 =	sshrl.u32 s8, $0x3;
	s12 =	sshrl.u32 s22, $0x1;
	s11 =	sor.u32 s14, s11  }
0xd: {  	s8 =	sadd.s32 s8, s9;
	s20 =	sadd.s32 s10, s0;
	s23 =	smul.u32 $0x6200, s11  }
0xe: {  	s10 =	sshrl.u32 s21, $0x2;
	s11 =	smul.u32 $0x620, s11;
	s8 =	sshrl.u32 s8, $0x3  }
0xf: {  	s10 =	sadd.s32 s10, s4;
	s9 =	sadd.s32 $0x189E00, s20;
	s20 =	smul.u32 $0x620, s14  }
0x10: {  	s0 =	sadd.s32 s8, s0;
	s8 =	ssub.s32 s22, s12;
	[dreg:$0x8] =	wrdreg s10  }
0x11: {  	[dreg:$0x9] =	wrdreg s9;
	s25 =	sadd.s32 s6, s23;
	s16 =	sadd.s32 s7, s23  }
0x12: {  	s17 =	sshrl.u32 s11, $0x3;
	s11 =	sadd.s32 $0xE0, s11;
	[dreg:$0xa] =	wrdreg s25  }
0x13: {  	s22 =	sadd.s32 s26, s6;
	s23 =	sadd.s32 s26, s7;
	[dreg:$0xb] =	wrdreg s16  }
0x14: {  	s18 =	sadd.s32 s2, s17;
	s19 =	sadd.s32 s3, s17;
	[dreg:$0x5] =	wrdreg s11  }
0x15: {  	s0 =	sadd.s32 $0x34F600, s0;
	s21 =	smax.u32 s8, $0x1;
	[dreg:$0xc] =	wrdreg s18  }
0x16: {  	s1 =	sadd.s32 s20, s1;
	s8 =	sadd.s32 s13, s23;
	[dreg:$0xd] =	wrdreg s19  }
0x17: {  	s20 =	simm.s32 $0xA400;
	s23 =	simm.s32 $0x18500;
	[dreg:$0xe] =	wrdreg s0  }
0x18: {  	[dreg:$0xf] =	wrdreg s21;
	s0 =	sadd.s32 s13, s22;
	s1 =	sadd.s32 $0x70, s1  }
0x19: {  	s24 =	sadd.s32 $0x700, s8;
	s19 =	simm.s32 $0x5;
	s21 =	simm.s32 $0x11400  }
0x1a: {  	s22 =	simm.s32 $0x18400;
	s8 =	simm.s32 $0x0;
	s0 =	sadd.s32 $0x700, s0  }
0x1b: {  	s1 =	sshrl.u32 s1, $0x3;
	[dreg:$0x7] =	wrdreg s24;
	s24 =	simm.s32 $0x1  }
0x1c: {  	[dreg:$0x6] =	wrdreg s0;
	s25 =	sadd.s32 s1, s3;
	s26 =	sadd.s32 s1, s2  }
0x1d: {  	s0 =	simm.s32 $0x3;
	s1 =	simm.s32 $0x4;
	[dreg:$0x10] =	wrdreg s25  }
0x1e: {  	[dreg:$0x11] =	wrdreg s26;
	s25 =	simm.s32 $0xDC00;
	s26 =	simm.s32 $0x14C00  }
.LBB2_1:
0x1f: {  	s9 =	rddreg [dreg:$0x8]  }
0x20: {  	s10 =	rddreg [dreg:$0x9];
	s9 =	sshrl.u32 s9, $0x3  }
0x21: {  	[spmem:s9], [sflag:s15] =	dma.local [hbm:s10], $0x1480  }
0x22: {  	_ =	swait.ge [sflag:s19], $0x1480  }
0x23: {  	[sflag:s19] =	ssyncset.done $0x0  }
0x24: {  	[sflag:s19] =	ssyncadd.s32 $0xFFFFEB80  }
0x25: {  	[bflag:$0x0] =	sbarrier.arrive $0xFFFF  }
0x26: {  	s14 =	rddreg [dreg:$0xa]  }
0x27: {  	[tilespmem:s20], [sflag:$0x1] =	stream.linear.gather [hbm4b:s14+s5], $0x3800, $0x38;
	[tilespmem:$0x18600] =	vst v63  }
0x28: {  	s18 =	smov.u32 s15;
	s15 =	rddreg [dreg:$0xb]  }
0x29: {  	[tilespmem:s21], [sflag:$0x1] =	stream.linear.gather [hbm4b:s15+s5], $0x3800, $0x38;
	[tilespmem:$0x18600] =	vst v63  }
0x2a: {  	s16 =	rddreg [dreg:$0xc]  }
0x2b: {  	[tilespmem:s22], [sflag:$0x1] =	stream.linear.gather [hbm4b:s16+s5], $0x70, $0x38;
	[tilespmem:$0x18600] =	vst v63  }
0x2c: {  	s17 =	rddreg [dreg:$0xd]  }
0x2d: {  	[tilespmem:s23], [sflag:$0x1] =	stream.linear.gather [hbm4b:s17+s5], $0x70, $0x38;
	[tilespmem:$0x18600] =	vst v63  }
0x2e: {  	_ =	swait.ge [sflag:s24], $0x3800  }
0x2f: {  	[sflag:s24] =	ssyncset.done $0x0  }
0x30: {  	[sflag:s24] =	ssyncadd.s32 $0xFFFFC800  }
0x31: {  	_ =	swait.ge [sflag:s24], $0x3800  }
0x32: {  	[sflag:s24] =	ssyncset.done $0x0  }
0x33: {  	[sflag:s24] =	ssyncadd.s32 $0xFFFFC800  }
0x34: {  	_ =	swait.ge [sflag:s24], $0x70  }
0x35: {  	[sflag:s24] =	ssyncset.done $0x0  }
0x36: {  	[sflag:s24] =	ssyncadd.s32 $0xFFFFFF90  }
0x37: {  	_ =	swait.ge [sflag:s24], $0x70  }
0x38: {  	p0 =	por $0x1, $0x1;
	[sflag:s24] =	ssyncset.done $0x0  }
0x39: {  	s11 =	simm.s32 @!p0 $0x4;
	[sflag:s24] =	ssyncadd.s32 $0xFFFFFF90  }
0x3a: {  	_ =	swait.ge @!p0 [sflag:s11], $0x3800  }
0x3b: {  	[sflag:s11] =	ssyncset.done @!p0 $0x0  }
0x3c: {  	[sflag:s11] =	ssyncadd.s32 @!p0 $0xFFFFC800  }
0x3d: {  	_ =	swait.ge @!p0 [sflag:s11], $0x3800  }
0x3e: {  	s12 =	rddreg [dreg:$0x6];
	[sflag:s11] =	ssyncset.done @!p0 $0x0  }
0x3f: {  	s13 =	rddreg [dreg:$0x7];
	[sflag:s11] =	ssyncadd.s32 @!p0 $0xFFFFC800;
	s10 =	sadd.s32 $0x0, s12  }
0x40: {  	[tilespmem:s25], [sflag:$0x2] =	stream.linear.gather [hbm4b:s10+s5], $0x3800, $0x38;
	[tilespmem:$0x18600] =	vst v63  }
0x41: {  	s12 =	sadd.s32 $0x0, s13  }
0x42: {  	[tilespmem:s26], [sflag:$0x2] =	stream.linear.gather [hbm4b:s12+s5], $0x3800, $0x38;
	[tilespmem:$0x18600] =	vst v63  }
0x43: {  	s14 =	rddreg [dreg:$0x11]  }
0x44: {  	[tilespmem:s28], [sflag:$0x2] =	stream.linear.gather [hbm4b:s14+s5], $0x70, $0x38;
	[tilespmem:$0x18600] =	vst v63  }
0x45: {  	s10 =	rddreg [dreg:$0x10]  }
0x46: {  	[tilespmem:s29], [sflag:$0x2] =	stream.linear.gather [hbm4b:s10+s5], $0x70, $0x38;
	[tilespmem:$0x18600] =	vst v63  }
0x47: {  	_ = 	snop  }
0x48: {  	[spmem:s4] =	stream.indirect.scatter.add.f32 [tilespmem:s20], [sflag:$0x3], $0x80, s22, s30, $0xb8;
	[tilespmem:$0x18600] =	vst v63  }
0x49: {  	_ = 	snop  }
0x4a: {  	[spmem:s4] =	stream.indirect.scatter.add.f32 [tilespmem:s21], [sflag:$0x3], $0x80, s23, s30, $0xb8;
	[tilespmem:$0x18600] =	vst v63  }
0x4b: {  	_ =	swait.ge [sflag:s31], $0x3800  }
0x4c: {  	[sflag:s31] =	ssyncset.done $0x0  }
0x4d: {  	[sflag:s31] =	ssyncadd.s32 $0xFFFFC800  }
0x4e: {  	_ =	swait.ge [sflag:s31], $0x3800  }
0x4f: {  	[sflag:s31] =	ssyncset.done $0x0  }
0x50: {  	[sflag:s31] =	ssyncadd.s32 $0xFFFFC800  }
0x51: {  	_ =	swait.ge [sflag:s31], $0x70  }
0x52: {  	[sflag:s31] =	ssyncset.done $0x0  }
0x53: {  	[sflag:s31] =	ssyncadd.s32 $0xFFFFFF90  }
0x54: {  	_ =	swait.ge [sflag:s31], $0x70  }
0x55: {  	[sflag:s31] =	ssyncset.done $0x0  }
0x56: {  	[sflag:s31] =	ssyncadd.s32 $0xFFFFFF90  }
0x57: {  	_ =	swait.ge [sflag:s0], $0x3800  }
0x58: {  	[sflag:s0] =	ssyncset.done $0x0  }
0x59: {  	s13 =	smin.u32 s5, $0xB;
	[sflag:s0] =	ssyncadd.s32 $0xFFFFC800  }
0x5a: {  	s11 =	smul.u32 $0x70, s13;
	_ =	swait.ge [sflag:s0], $0x3800  }
0x5b: {  	s15 =	rddreg [dreg:$0x5]  }
0x5c: {  	s11 =	sadd.s32 s11, s15  }
0x5d: {  	[sflag:s0] =	ssyncset.done $0x0;
	s12 =	sshll.u32 s11, $0x4  }
0x5e: {  	[sflag:s0] =	ssyncadd.s32 $0xFFFFC800;
	s16 =	sadd.s32 s6, s12  }
0x5f: {  	[tilespmem:s20], [sflag:$0x1] =	stream.linear.gather [hbm4b:s16+s5], $0x3800, $0x38;
	[tilespmem:$0x18600] =	vst v63  }
0x60: {  	s11 =	sshrl.u32 s11, $0x3;
	s12 =	sadd.s32 s7, s12  }
0x61: {  	[tilespmem:s21], [sflag:$0x1] =	stream.linear.gather [hbm4b:s12+s5], $0x3800, $0x38;
	[tilespmem:$0x18600] =	vst v63  }
0x62: {  	s17 =	sadd.s32 s2, s11  }
0x63: {  	[tilespmem:s22], [sflag:$0x1] =	stream.linear.gather [hbm4b:s17+s5], $0x70, $0x38;
	[tilespmem:$0x18600] =	vst v63  }
0x64: {  	s13 =	sadd.s32 $0x1C, s10;
	s11 =	sadd.s32 s3, s11  }
0x65: {  	[tilespmem:s23], [sflag:$0x1] =	stream.linear.gather [hbm4b:s11+s5], $0x70, $0x38;
	[tilespmem:$0x18600] =	vst v63  }
0x66: {  	s14 =	sadd.s32 $0x1C, s14;
	s12 =	simm.s32 $0x2;
	s11 =	simm.s32 $0xE00  }
0x67: {  	[spmem:s4] =	stream.indirect.scatter.add.f32 [tilespmem:s25], [sflag:$0x4], $0x80, s28, s30, $0xb8;
	[tilespmem:$0x18600] =	vst v63  }
.LBB2_2:
0x68: {  	[spmem:s4] =	stream.indirect.scatter.add.f32 [tilespmem:s26], [sflag:$0x4], $0x80, s29, s30, $0xb8;
	[tilespmem:$0x18600] =	vst v63  }
0x69: {  	_ =	swait.ge [sflag:s24], $0x3800  }
0x6a: {  	[sflag:s24] =	ssyncset.done $0x0  }
0x6b: {  	[sflag:s24] =	ssyncadd.s32 $0xFFFFC800  }
0x6c: {  	_ =	swait.ge [sflag:s24], $0x3800  }
0x6d: {  	[sflag:s24] =	ssyncset.done $0x0  }
0x6e: {  	[sflag:s24] =	ssyncadd.s32 $0xFFFFC800  }
0x6f: {  	_ =	swait.ge [sflag:s24], $0x70  }
0x70: {  	[sflag:s24] =	ssyncset.done $0x0  }
0x71: {  	[sflag:s24] =	ssyncadd.s32 $0xFFFFFF90  }
0x72: {  	s15 =	smov.u32 s11;
	_ =	swait.ge [sflag:s24], $0x70  }
0x73: {  	p1 =	seq.s32 s15, $0x0;
	[sflag:s24] =	ssyncset.done $0x0  }
0x74: {  	s16 =	simm.s32 @!p1 $0x4;
	[sflag:s24] =	ssyncadd.s32 $0xFFFFFF90  }
0x75: {  	_ =	swait.ge @!p1 [sflag:s16], $0x3800  }
0x76: {  	[sflag:s16] =	ssyncset.done @!p1 $0x0  }
0x77: {  	[sflag:s16] =	ssyncadd.s32 @!p1 $0xFFFFC800  }
0x78: {  	_ =	swait.ge @!p1 [sflag:s16], $0x3800  }
0x79: {  	s10 =	rddreg [dreg:$0x6];
	[sflag:s16] =	ssyncset.done @!p1 $0x0  }
0x7a: {  	s17 =	rddreg [dreg:$0x7];
	[sflag:s16] =	ssyncadd.s32 @!p1 $0xFFFFC800;
	s10 =	sadd.s32 s15, s10  }
0x7b: {  	[tilespmem:s25], [sflag:$0x2] =	stream.linear.gather [hbm4b:s10+s5], $0x3800, $0x38;
	[tilespmem:$0x18600] =	vst v63  }
0x7c: {  	s17 =	sadd.s32 s15, s17  }
0x7d: {  	[tilespmem:s26], [sflag:$0x2] =	stream.linear.gather [hbm4b:s17+s5], $0x3800, $0x38;
	[tilespmem:$0x18600] =	vst v63  }
0x7e: {  	_ = 	snop  }
0x7f: {  	[tilespmem:s28], [sflag:$0x2] =	stream.linear.gather [hbm4b:s14+s5], $0x70, $0x38;
	[tilespmem:$0x18600] =	vst v63  }
0x80: {  	_ = 	snop  }
0x81: {  	[tilespmem:s29], [sflag:$0x2] =	stream.linear.gather [hbm4b:s13+s5], $0x70, $0x38;
	[tilespmem:$0x18600] =	vst v63  }
0x82: {  	_ = 	snop  }
0x83: {  	[spmem:s4] =	stream.indirect.scatter.add.f32 [tilespmem:s20], [sflag:$0x3], $0x80, s22, s30, $0xb8;
	[tilespmem:$0x18600] =	vst v63  }
0x84: {  	_ = 	snop  }
0x85: {  	[spmem:s4] =	stream.indirect.scatter.add.f32 [tilespmem:s21], [sflag:$0x3], $0x80, s23, s30, $0xb8;
	[tilespmem:$0x18600] =	vst v63  }
0x86: {  	_ =	swait.ge [sflag:s31], $0x3800  }
0x87: {  	[sflag:s31] =	ssyncset.done $0x0  }
0x88: {  	[sflag:s31] =	ssyncadd.s32 $0xFFFFC800  }
0x89: {  	_ =	swait.ge [sflag:s31], $0x3800  }
0x8a: {  	[sflag:s31] =	ssyncset.done $0x0  }
0x8b: {  	[sflag:s31] =	ssyncadd.s32 $0xFFFFC800  }
0x8c: {  	_ =	swait.ge [sflag:s31], $0x70  }
0x8d: {  	[sflag:s31] =	ssyncset.done $0x0  }
0x8e: {  	[sflag:s31] =	ssyncadd.s32 $0xFFFFFF90  }
0x8f: {  	_ =	swait.ge [sflag:s31], $0x70  }
0x90: {  	[sflag:s31] =	ssyncset.done $0x0  }
0x91: {  	[sflag:s31] =	ssyncadd.s32 $0xFFFFFF90  }
0x92: {  	_ =	swait.ge [sflag:s0], $0x3800  }
0x93: {  	[sflag:s0] =	ssyncset.done $0x0  }
0x94: {  	s15 =	smin.u32 s12, $0xB;
	[sflag:s0] =	ssyncadd.s32 $0xFFFFC800  }
0x95: {  	s10 =	smul.u32 $0x70, s15;
	_ =	swait.ge [sflag:s0], $0x3800  }
0x96: {  	s16 =	rddreg [dreg:$0x5]  }
0x97: {  	s10 =	sadd.s32 s10, s16  }
0x98: {  	[sflag:s0] =	ssyncset.done $0x0;
	s15 =	sshll.u32 s10, $0x4  }
0x99: {  	[sflag:s0] =	ssyncadd.s32 $0xFFFFC800;
	s17 =	sadd.s32 s6, s15  }
0x9a: {  	[tilespmem:s20], [sflag:$0x1] =	stream.linear.gather [hbm4b:s17+s5], $0x3800, $0x38;
	[tilespmem:$0x18600] =	vst v63  }
0x9b: {  	s11 =	sadd.s32 $0xE00, s11;
	s10 =	sshrl.u32 s10, $0x3;
	s15 =	sadd.s32 s7, s15  }
0x9c: {  	[tilespmem:s21], [sflag:$0x1] =	stream.linear.gather [hbm4b:s15+s5], $0x3800, $0x38;
	[tilespmem:$0x18600] =	vst v63  }
0x9d: {  	p0 =	sne.s32 s11, $0x6200;
	s17 =	sadd.s32 s2, s10  }
0x9e: {  	[tilespmem:s22], [sflag:$0x1] =	stream.linear.gather [hbm4b:s17+s5], $0x70, $0x38;
	[tilespmem:$0x18600] =	vst v63  }
.Ltmp0:
0x9f: {  	_ = 	snop;
	(pc) =	sbr.rel @p0 .LBB2_2-.Ltmp0, $4  }
0xa0: {  	s10 =	sadd.s32 s3, s10  }
0xa1: {  	[tilespmem:s23], [sflag:$0x1] =	stream.linear.gather [hbm4b:s10+s5], $0x70, $0x38;
	[tilespmem:$0x18600] =	vst v63  }
0xa2: {  	s12 =	sadd.s32 $0x2, s12;
	s14 =	sadd.s32 $0x1C, s14;
	s13 =	sadd.s32 $0x1C, s13  }
0xa3: {  	[spmem:s4] =	stream.indirect.scatter.add.f32 [tilespmem:s25], [sflag:$0x4], $0x80, s28, s30, $0xb8;
	[tilespmem:$0x18600] =	vst v63  }
0xa4: {  	[spmem:s4] =	stream.indirect.scatter.add.f32 [tilespmem:s26], [sflag:$0x4], $0x80, s29, s30, $0xb8;
	[tilespmem:$0x18600] =	vst v63  }
0xa5: {  	_ =	swait.ge [sflag:s24], $0x3800  }
0xa6: {  	[sflag:s24] =	ssyncset.done $0x0  }
0xa7: {  	[sflag:s24] =	ssyncadd.s32 $0xFFFFC800  }
0xa8: {  	_ =	swait.ge [sflag:s24], $0x3800  }
0xa9: {  	[sflag:s24] =	ssyncset.done $0x0  }
0xaa: {  	[sflag:s24] =	ssyncadd.s32 $0xFFFFC800  }
0xab: {  	_ =	swait.ge [sflag:s24], $0x70  }
0xac: {  	[sflag:s24] =	ssyncset.done $0x0  }
0xad: {  	[sflag:s24] =	ssyncadd.s32 $0xFFFFFF90  }
0xae: {  	_ =	swait.ge [sflag:s24], $0x70  }
0xaf: {  	[sflag:s24] =	ssyncset.done $0x0  }
0xb0: {  	[sflag:s24] =	ssyncadd.s32 $0xFFFFFF90  }
0xb1: {  	_ =	swait.ge [sflag:s1], $0x3800  }
0xb2: {  	[sflag:s1] =	ssyncset.done $0x0  }
0xb3: {  	[sflag:s1] =	ssyncadd.s32 $0xFFFFC800  }
0xb4: {  	_ =	swait.ge [sflag:s1], $0x3800  }
0xb5: {  	[sflag:s1] =	ssyncset.done $0x0  }
0xb6: {  	[sflag:s1] =	ssyncadd.s32 $0xFFFFC800  }
0xb7: {  	[bflag:$0x0] =	sbarrier.arrive $0xFFFF  }
0xb8: {  	s10 =	rddreg [dreg:$0xe]  }
0xb9: {  	[hbm:s10], [sflag:s18] =	dma.local [spmem:s9], $0x1480  }
0xba: {  	_ =	swait.ge [sflag:s19], $0x1480  }
0xbb: {  	s15 =	smov.u32 s18;
	s8 =	sadd.s32 $0x1, s8;
	s18 =	rddreg [dreg:$0xf]  }
0xbc: {  	p0 =	sne.s32 s8, s18  }
.Ltmp1:
0xbd: {  	_ = 	snop;
	(pc) =	sbr.rel @p0 .LBB2_1-.Ltmp1, $3  }
0xbe: {  	_ =	sdelay $0x1  }
0xbf: {  	[sflag:s19] =	ssyncset.done $0x0  }
0xc0: {  	[sflag:s19] =	ssyncadd.s32 $0xFFFFEB80  }
0xc1: {  	_ =	sfence.sel $0x180000  }
0xc2: {  	[bflag:$0x0] =	sbarrier.arrive $0xFFFF  }
0xc3: {  	_ =	strace $0x9000004A  }
0xc4: {  	s0 =	stileid.u32;
	[bflag:$0x2] =	sbarrier.arrive $0xFFFF  }
0xc5: {  	p0 =	sne.s32 s0, $0x0;
	s0 =	rddreg [dreg:$0x4]  }
0xc6: {  	s0 =	sadd.s32 @!p0 $0x100000, s0  }
0xc7: {  	[sflag:s0] =	ssyncadd.tile.s32 @!p0 $0x1;
	_ =	shalt  }
.Lfunc_end2:
_tile_overlayer_lowered:
.L_overlay_start_2:
0xc8: {  	(tag) =	ssettag $0x2  }
0xc9: {  	s0 =	rddreg [dreg:$0x0];
	s2 =	stileid.u32  }
0xca: {  	s1 =	rddreg [dreg:$0x1];
	p0 =	sne.s32 s2, $0x0  }
0xcb: {  	s3 =	rddreg [dreg:$0x2];
	[bflag:$0x3] =	sbarrier.arrive $0xFFFF;
	s2 =	simm.s32 @!p0 $0x1C05  }
0xcc: {  	[timem:s3], [sflag:s2] =	dma.local @!p0 [hbm:s0], s1  }
0xcd: {  	s0 =	simm.s32 @!p0 $0x5  }
0xce: {  	_ =	swait.ge @!p0 [sflag:s0], s1  }
0xcf: {  	s1 =	ssub.s32 @!p0 $0x0, s1;
	[sflag:s0] =	ssyncset.done @!p0 $0x0  }
0xd0: {  	[sflag:s0] =	ssyncadd.s32 @!p0 s1  }
0xd1: {  	[bflag:$0x3] =	sbarrier.arrive $0xFFFF  }
0xd2: {  	_ =	shalt  }

</sc_bundles>
